<compile_context>
chip_gen: v7x
topology: tpu7x:2x2x1
jax: 0.10.2.dev20260603
libtpu: 0.0.44.dev20260713+nightly
codegen_flags: <defaults>
</compile_context>

<pallas_src>
import functools

import jax
import jax.numpy as jnp
from jax import lax
from jax.experimental import pallas as pl
from jax.experimental.pallas import tpu as pltpu
from jax.experimental.pallas import tpu_sc as plsc

VOCAB = 100000
D = 128
S = 200
B = 4096

NC = 2
NS = 16
L = 16
BT = B // (NC * NS)
SC_B = B // NC


def _mean_embed(sentence, table):
    mesh = plsc.VectorSubcoreMesh(core_axis_name="c", subcore_axis_name="s")

    @functools.partial(
        pl.kernel,
        mesh=mesh,
        out_type=jax.ShapeDtypeStruct((B, D), jnp.float32),
        scratch_types=[
            pltpu.VMEM((S, BT), jnp.int32),
            pltpu.VMEM((5, BT, D), jnp.float32),
            pltpu.VMEM((BT,), jnp.int32),
            pltpu.VMEM_SHARED((SC_B, D), jnp.float32),
            [pltpu.SemaphoreType.DMA] * 5,
            pltpu.SemaphoreType.DMA,
            pltpu.SemaphoreType.DMA,
        ],
    )
    def k(sent_hbm, table_hbm, out_hbm, idx_v, rows_v, dst_v,
          accum_sh, gsems, ssem, stsem):
        cid = lax.axis_index("c")
        sid = lax.axis_index("s")
        tid = cid * NS + sid
        gbase = tid * BT
        lbase = sid * BT

        pltpu.async_copy(sent_hbm.at[pl.ds(8, S - 8), pl.ds(gbase, BT)],
                         idx_v.at[pl.ds(8, S - 8)], stsem)
        pltpu.sync_copy(sent_hbm.at[pl.ds(0, 8), pl.ds(gbase, BT)],
                        idx_v.at[pl.ds(0, 8)])

        for j in range(BT // L):
            dst_v[pl.ds(j * L, L)] = (
                jnp.full((L,), lbase + j * L, jnp.int32)
                + lax.iota(jnp.int32, L)
            )

        NB = 5

        def wait_gather(b):
            pltpu.make_async_copy(
                table_hbm.at[idx_v.at[0]], rows_v.at[b], gsems[b]
            ).wait()

        def wait_scatter():
            pltpu.make_async_copy(
                rows_v.at[0], accum_sh.at[dst_v], ssem
            ).wait()

        for b in range(NB):
            pltpu.async_copy(table_hbm.at[idx_v.at[b]], rows_v.at[b], gsems[b])

        def body(g, carry):
            for b in range(NB):
                t = NB * g + b
                blag = (b - 1) % NB

                @pl.when(t == 4)
                def _stwait():
                    pltpu.make_async_copy(
                        sent_hbm.at[pl.ds(8, S - 8), pl.ds(gbase, BT)],
                        idx_v.at[pl.ds(8, S - 8)], stsem,
                    ).wait()

                @pl.when(t >= 1)
                def _drain_refill():
                    wait_scatter()

                    @pl.when(t + NB - 1 < S)
                    def _refill():
                        pltpu.async_copy(
                            table_hbm.at[idx_v.at[t + NB - 1]],
                            rows_v.at[blag], gsems[blag],
                        )

                wait_gather(b)

                @pl.when(t >= 1)
                def _add():
                    pltpu.async_copy(
                        rows_v.at[b], accum_sh.at[dst_v], ssem, add=True
                    )

                @pl.when(t < 1)
                def _init():
                    pltpu.async_copy(rows_v.at[b], accum_sh.at[dst_v], ssem)
            return carry

        lax.fori_loop(0, S // NB, body, 0)
        wait_scatter()

        acc_v = rows_v.at[0]
        pltpu.sync_copy(accum_sh.at[pl.ds(lbase, BT)], acc_v)
        inv = jnp.full((L,), 1.0 / S, jnp.float32)

        def sbody(r, carry):
            for j in range(D // L):
                acc_v[r, pl.ds(j * L, L)] = acc_v[r, pl.ds(j * L, L)] * inv
            return carry

        lax.fori_loop(0, BT, sbody, 0)
        pltpu.sync_copy(acc_v, out_hbm.at[pl.ds(gbase, BT)])

    return k(sentence, table)


def kernel(sentence, table):
    return _mean_embed(sentence, table)

# --- scband reference (transcript-rebuilt; emitter-appended) ---
"""Pipeline reference for scband-average-baseline-85804856639671 (READ-ONLY COPY).

The authoritative reference and input builder live on the scoring server;
editing this copy changes nothing except your own understanding.
"""

import jax, jax.numpy as jnp
import numpy as np

VOCAB = 100000
EMBED_DIM = 128
SEQ_LEN = 200
BATCH = 4096


def setup_inputs(seed: int = 0) -> dict:
    key = jax.random.key(seed)
    k1, k2 = jax.random.split(key)
    sentence = jax.random.randint(k1, (SEQ_LEN, BATCH), 0, VOCAB, dtype=jnp.int32)
    # pretrained embedding table (copied into nn.Embedding in the torch module)
    table = jax.random.normal(k2, (VOCAB, EMBED_DIM), dtype=jnp.float32)
    return {"sentence": sentence, "table": table}


def reference(sentence, table):
    # embed = self.embedding(sentence)  -> gather rows of table
    embed = jnp.take(table, sentence, axis=0)  # [SEQ_LEN, BATCH, EMBED_DIM]
    # out = torch.mean(embed, dim=0)
    out = jnp.mean(embed, axis=0)  # [BATCH, EMBED_DIM]
    return out

if __name__ == "__main__":
    import jax
    _d = setup_inputs()
    print(jax.jit(kernel)(*tuple(_d.values())))

</pallas_src>

<mosaic_0001>
#map = affine_map<(d0, d1) -> (0, 0)>
module attributes {stable_mosaic.version = 14 : i64} {
  func.func @k(%arg0: i32, %arg1: i32, %arg2: memref<200x4096xi32, #tpu.memory_space<hbm>>, %arg3: memref<100000x128xf32, #tpu.memory_space<hbm>>, %arg4: memref<4096x128xf32, #tpu.memory_space<hbm>>, %arg5: memref<200x128xi32, #tpu.memory_space<vmem>>, %arg6: memref<5x128x128xf32, #tpu.memory_space<vmem>>, %arg7: memref<128xi32, #tpu.memory_space<vmem>>, %arg8: memref<2048x128xf32, #tpu.memory_space<vmem_shared>>, %arg9: memref<!tpu.dma_semaphore, #tpu.memory_space<semaphore_mem>>, %arg10: memref<!tpu.dma_semaphore, #tpu.memory_space<semaphore_mem>>, %arg11: memref<!tpu.dma_semaphore, #tpu.memory_space<semaphore_mem>>, %arg12: memref<!tpu.dma_semaphore, #tpu.memory_space<semaphore_mem>>, %arg13: memref<!tpu.dma_semaphore, #tpu.memory_space<semaphore_mem>>, %arg14: memref<!tpu.dma_semaphore, #tpu.memory_space<semaphore_mem>>, %arg15: memref<!tpu.dma_semaphore, #tpu.memory_space<semaphore_mem>>) attributes {dimension_semantics = [#tpu.dimension_semantics<core_parallel>, #tpu.dimension_semantics<subcore_parallel>], iteration_bounds = array<i64: 2, 16>, scalar_prefetch = 0 : i64, scratch_operands = 11 : i64, tpu.core_type = #tpu.core_type<sc_vector_subcore>, window_params = [{transform_indices = #map}, {transform_indices = #map}, {transform_indices = #map}]} {
    %mul3A = arith.constant 16 : i32
    %mul3A_0 = arith.muli %arg0, %mul3A : i32
    %add3A = arith.addi %mul3A_0, %arg1 : i32
    %mul3A_1 = arith.constant 128 : i32
    %mul3A_2 = arith.muli %add3A, %mul3A_1 : i32
    %mul3A_3 = arith.constant 128 : i32
    %mul3A_4 = arith.muli %arg1, %mul3A_3 : i32
    %dma_start3A = arith.constant 8 : i32
    %dma_start3A_5 = arith.constant 0 : i32
    %dma_start3A_6 = tpu.memref_slice %arg5[%dma_start3A, %dma_start3A_5] : memref<200x128xi32, #tpu.memory_space<vmem>> -> memref<192x128xi32, #tpu.memory_space<vmem>>
    %dma_start3A_7 = arith.constant 8 : i32
    %dma_start3A_8 = tpu.memref_slice %arg2[%dma_start3A_7, %mul3A_2] : memref<200x4096xi32, #tpu.memory_space<hbm>> -> memref<192x128xi32, #tpu.memory_space<hbm>>
    %dma_start3A_9 = arith.constant 8 : i32
    %dma_start3A_10 = arith.constant 0 : i32
    %dma_start3A_11 = tpu.memref_slice %arg5[%dma_start3A_9, %dma_start3A_10] : memref<200x128xi32, #tpu.memory_space<vmem>> -> memref<192x128xi32, #tpu.memory_space<vmem>>
    %dma_start3A_12 = arith.constant 8 : i32
    %dma_start3A_13 = tpu.memref_slice %arg2[%dma_start3A_12, %mul3A_2] : memref<200x4096xi32, #tpu.memory_space<hbm>> -> memref<192x128xi32, #tpu.memory_space<hbm>>
    tpu.enqueue_dma source(%dma_start3A_13 : memref<192x128xi32, #tpu.memory_space<hbm>>) target(%dma_start3A_11 : memref<192x128xi32, #tpu.memory_space<vmem>>) target_semaphore(%arg15 : memref<!tpu.dma_semaphore, #tpu.memory_space<semaphore_mem>>)
    "tpu.region"() ({
      %run_scoped3A_165 = tpu.sem_alloc : memref<!tpu.dma_semaphore, #tpu.memory_space<semaphore_mem>>
      %dma_start3A_166 = arith.constant 0 : i32
      %dma_start3A_167 = arith.constant 0 : i32
      %dma_start3A_168 = tpu.memref_slice %arg5[%dma_start3A_166, %dma_start3A_167] : memref<200x128xi32, #tpu.memory_space<vmem>> -> memref<8x128xi32, #tpu.memory_space<vmem>>
      %dma_start3A_169 = arith.constant 0 : i32
      %dma_start3A_170 = tpu.memref_slice %arg2[%dma_start3A_169, %mul3A_2] : memref<200x4096xi32, #tpu.memory_space<hbm>> -> memref<8x128xi32, #tpu.memory_space<hbm>>
      %dma_start3A_171 = arith.constant 0 : i32
      %dma_start3A_172 = arith.constant 0 : i32
      %dma_start3A_173 = tpu.memref_slice %arg5[%dma_start3A_171, %dma_start3A_172] : memref<200x128xi32, #tpu.memory_space<vmem>> -> memref<8x128xi32, #tpu.memory_space<vmem>>
      %dma_start3A_174 = arith.constant 0 : i32
      %dma_start3A_175 = tpu.memref_slice %arg2[%dma_start3A_174, %mul3A_2] : memref<200x4096xi32, #tpu.memory_space<hbm>> -> memref<8x128xi32, #tpu.memory_space<hbm>>
      tpu.enqueue_dma source(%dma_start3A_175 : memref<8x128xi32, #tpu.memory_space<hbm>>) target(%dma_start3A_173 : memref<8x128xi32, #tpu.memory_space<vmem>>) target_semaphore(%run_scoped3A_165 : memref<!tpu.dma_semaphore, #tpu.memory_space<semaphore_mem>>)
      %dma_wait3A_176 = arith.constant 0 : i32
      %dma_wait3A_177 = arith.constant 0 : i32
      %dma_wait3A_178 = tpu.memref_slice %arg5[%dma_wait3A_176, %dma_wait3A_177] : memref<200x128xi32, #tpu.memory_space<vmem>> -> memref<8x128xi32, #tpu.memory_space<vmem>>
      %dma_wait3A_179 = arith.constant 0 : i32
      %dma_wait3A_180 = tpu.memref_slice %arg2[%dma_wait3A_179, %mul3A_2] : memref<200x4096xi32, #tpu.memory_space<hbm>> -> memref<8x128xi32, #tpu.memory_space<hbm>>
      %dma_wait3A_181 = arith.constant 0 : i32
      %dma_wait3A_182 = arith.constant 0 : i32
      %dma_wait3A_183 = tpu.memref_slice %arg5[%dma_wait3A_181, %dma_wait3A_182] : memref<200x128xi32, #tpu.memory_space<vmem>> -> memref<8x128xi32, #tpu.memory_space<vmem>>
      %dma_wait3A_184 = arith.constant 0 : i32
      %dma_wait3A_185 = tpu.memref_slice %arg2[%dma_wait3A_184, %mul3A_2] : memref<200x4096xi32, #tpu.memory_space<hbm>> -> memref<8x128xi32, #tpu.memory_space<hbm>>
      tpu.wait_dma2 semaphore(%run_scoped3A_165 : memref<!tpu.dma_semaphore, #tpu.memory_space<semaphore_mem>>) src(%dma_wait3A_185 : memref<8x128xi32, #tpu.memory_space<hbm>>) dst(%dma_wait3A_183 : memref<8x128xi32, #tpu.memory_space<vmem>>)
      tpu.yield
    }) : () -> ()
    %add3A_14 = arith.constant 0 : i32
    %add3A_15 = arith.addi %mul3A_4, %add3A_14 : i32
    %broadcast_in_dim3A = vector.broadcast %add3A_15 : i32 to vector<16xi32>
    %iota3A = tpu.iota {dimensions = array<i32: 0>} : vector<16xi32>
    %add3A_16 = arith.addi %broadcast_in_dim3A, %iota3A : vector<16xi32>
    %swap3A = arith.constant 0 : index
    %swap3A_17 = tpu.vector_load %arg7[%swap3A] {strides = array<i32>} : memref<128xi32, #tpu.memory_space<vmem>>, vector<16xi32>,
    %swap3A_18 = vector.shape_cast %swap3A_17 : vector<16xi32> to vector<16xi32>
    %swap3A_19 = vector.shape_cast %add3A_16 : vector<16xi32> to vector<16xi32>
    tpu.vector_store %arg7[%swap3A], %swap3A_19 {strides = array<i32>} : memref<128xi32, #tpu.memory_space<vmem>>, vector<16xi32>,
    %add3A_20 = arith.constant 16 : i32
    %add3A_21 = arith.addi %mul3A_4, %add3A_20 : i32
    %broadcast_in_dim3A_22 = vector.broadcast %add3A_21 : i32 to vector<16xi32>
    %iota3A_23 = tpu.iota {dimensions = array<i32: 0>} : vector<16xi32>
    %add3A_24 = arith.addi %broadcast_in_dim3A_22, %iota3A_23 : vector<16xi32>
    %swap3A_25 = arith.constant 16 : index
    %swap3A_26 = tpu.vector_load %arg7[%swap3A_25] {strides = array<i32>} : memref<128xi32, #tpu.memory_space<vmem>>, vector<16xi32>,
    %swap3A_27 = vector.shape_cast %swap3A_26 : vector<16xi32> to vector<16xi32>
    %swap3A_28 = vector.shape_cast %add3A_24 : vector<16xi32> to vector<16xi32>
    tpu.vector_store %arg7[%swap3A_25], %swap3A_28 {strides = array<i32>} : memref<128xi32, #tpu.memory_space<vmem>>, vector<16xi32>,
    %add3A_29 = arith.constant 32 : i32
    %add3A_30 = arith.addi %mul3A_4, %add3A_29 : i32
    %broadcast_in_dim3A_31 = vector.broadcast %add3A_30 : i32 to vector<16xi32>
    %iota3A_32 = tpu.iota {dimensions = array<i32: 0>} : vector<16xi32>
    %add3A_33 = arith.addi %broadcast_in_dim3A_31, %iota3A_32 : vector<16xi32>
    %swap3A_34 = arith.constant 32 : index
    %swap3A_35 = tpu.vector_load %arg7[%swap3A_34] {strides = array<i32>} : memref<128xi32, #tpu.memory_space<vmem>>, vector<16xi32>,
    %swap3A_36 = vector.shape_cast %swap3A_35 : vector<16xi32> to vector<16xi32>
    %swap3A_37 = vector.shape_cast %add3A_33 : vector<16xi32> to vector<16xi32>
    tpu.vector_store %arg7[%swap3A_34], %swap3A_37 {strides = array<i32>} : memref<128xi32, #tpu.memory_space<vmem>>, vector<16xi32>,
    %add3A_38 = arith.constant 48 : i32
    %add3A_39 = arith.addi %mul3A_4, %add3A_38 : i32
    %broadcast_in_dim3A_40 = vector.broadcast %add3A_39 : i32 to vector<16xi32>
    %iota3A_41 = tpu.iota {dimensions = array<i32: 0>} : vector<16xi32>
    %add3A_42 = arith.addi %broadcast_in_dim3A_40, %iota3A_41 : vector<16xi32>
    %swap3A_43 = arith.constant 48 : index
    %swap3A_44 = tpu.vector_load %arg7[%swap3A_43] {strides = array<i32>} : memref<128xi32, #tpu.memory_space<vmem>>, vector<16xi32>,
    %swap3A_45 = vector.shape_cast %swap3A_44 : vector<16xi32> to vector<16xi32>
    %swap3A_46 = vector.shape_cast %add3A_42 : vector<16xi32> to vector<16xi32>
    tpu.vector_store %arg7[%swap3A_43], %swap3A_46 {strides = array<i32>} : memref<128xi32, #tpu.memory_space<vmem>>, vector<16xi32>,
    %add3A_47 = arith.constant 64 : i32
    %add3A_48 = arith.addi %mul3A_4, %add3A_47 : i32
    %broadcast_in_dim3A_49 = vector.broadcast %add3A_48 : i32 to vector<16xi32>
    %iota3A_50 = tpu.iota {dimensions = array<i32: 0>} : vector<16xi32>
    %add3A_51 = arith.addi %broadcast_in_dim3A_49, %iota3A_50 : vector<16xi32>
    %swap3A_52 = arith.constant 64 : index
    %swap3A_53 = tpu.vector_load %arg7[%swap3A_52] {strides = array<i32>} : memref<128xi32, #tpu.memory_space<vmem>>, vector<16xi32>,
    %swap3A_54 = vector.shape_cast %swap3A_53 : vector<16xi32> to vector<16xi32>
    %swap3A_55 = vector.shape_cast %add3A_51 : vector<16xi32> to vector<16xi32>
    tpu.vector_store %arg7[%swap3A_52], %swap3A_55 {strides = array<i32>} : memref<128xi32, #tpu.memory_space<vmem>>, vector<16xi32>,
    %add3A_56 = arith.constant 80 : i32
    %add3A_57 = arith.addi %mul3A_4, %add3A_56 : i32
    %broadcast_in_dim3A_58 = vector.broadcast %add3A_57 : i32 to vector<16xi32>
    %iota3A_59 = tpu.iota {dimensions = array<i32: 0>} : vector<16xi32>
    %add3A_60 = arith.addi %broadcast_in_dim3A_58, %iota3A_59 : vector<16xi32>
    %swap3A_61 = arith.constant 80 : index
    %swap3A_62 = tpu.vector_load %arg7[%swap3A_61] {strides = array<i32>} : memref<128xi32, #tpu.memory_space<vmem>>, vector<16xi32>,
    %swap3A_63 = vector.shape_cast %swap3A_62 : vector<16xi32> to vector<16xi32>
    %swap3A_64 = vector.shape_cast %add3A_60 : vector<16xi32> to vector<16xi32>
    tpu.vector_store %arg7[%swap3A_61], %swap3A_64 {strides = array<i32>} : memref<128xi32, #tpu.memory_space<vmem>>, vector<16xi32>,
    %add3A_65 = arith.constant 96 : i32
    %add3A_66 = arith.addi %mul3A_4, %add3A_65 : i32
    %broadcast_in_dim3A_67 = vector.broadcast %add3A_66 : i32 to vector<16xi32>
    %iota3A_68 = tpu.iota {dimensions = array<i32: 0>} : vector<16xi32>
    %add3A_69 = arith.addi %broadcast_in_dim3A_67, %iota3A_68 : vector<16xi32>
    %swap3A_70 = arith.constant 96 : index
    %swap3A_71 = tpu.vector_load %arg7[%swap3A_70] {strides = array<i32>} : memref<128xi32, #tpu.memory_space<vmem>>, vector<16xi32>,
    %swap3A_72 = vector.shape_cast %swap3A_71 : vector<16xi32> to vector<16xi32>
    %swap3A_73 = vector.shape_cast %add3A_69 : vector<16xi32> to vector<16xi32>
    tpu.vector_store %arg7[%swap3A_70], %swap3A_73 {strides = array<i32>} : memref<128xi32, #tpu.memory_space<vmem>>, vector<16xi32>,
    %add3A_74 = arith.constant 112 : i32
    %add3A_75 = arith.addi %mul3A_4, %add3A_74 : i32
    %broadcast_in_dim3A_76 = vector.broadcast %add3A_75 : i32 to vector<16xi32>
    %iota3A_77 = tpu.iota {dimensions = array<i32: 0>} : vector<16xi32>
    %add3A_78 = arith.addi %broadcast_in_dim3A_76, %iota3A_77 : vector<16xi32>
    %swap3A_79 = arith.constant 112 : index
    %swap3A_80 = tpu.vector_load %arg7[%swap3A_79] {strides = array<i32>} : memref<128xi32, #tpu.memory_space<vmem>>, vector<16xi32>,
    %swap3A_81 = vector.shape_cast %swap3A_80 : vector<16xi32> to vector<16xi32>
    %swap3A_82 = vector.shape_cast %add3A_78 : vector<16xi32> to vector<16xi32>
    tpu.vector_store %arg7[%swap3A_79], %swap3A_82 {strides = array<i32>} : memref<128xi32, #tpu.memory_space<vmem>>, vector<16xi32>,
    %dma_start3A_83 = arith.constant 0 : i32
    %dma_start3A_84 = arith.constant 0 : i32
    %dma_start3A_85 = arith.constant 0 : i32
    %dma_start3A_86 = arith.constant 0 : i32
    %dma_start3A_87 = tpu.memref_slice %arg6[%dma_start3A_84, %dma_start3A_85, %dma_start3A_86] : memref<5x128x128xf32, #tpu.memory_space<vmem>> -> memref<1x128x128xf32, #tpu.memory_space<vmem>>
    %dma_start3A_88 = tpu.memref_squeeze %dma_start3A_87 : memref<1x128x128xf32, #tpu.memory_space<vmem>> -> memref<128x128xf32, #tpu.memory_space<vmem>>
    %dma_start3A_89 = arith.constant 0 : i32
    %dma_start3A_90 = tpu.memref_slice %arg5[%dma_start3A_83, %dma_start3A_89] : memref<200x128xi32, #tpu.memory_space<vmem>> -> memref<1x128xi32, #tpu.memory_space<vmem>>
    %dma_start3A_91 = tpu.memref_squeeze %dma_start3A_90 : memref<1x128xi32, #tpu.memory_space<vmem>> -> memref<128xi32, #tpu.memory_space<vmem>>
    %dma_start3A_92 = arith.constant 0 : i32
    %dma_start3A_93 = arith.constant 0 : i32
    %dma_start3A_94 = tpu.memref_slice %arg3[%dma_start3A_92, %dma_start3A_93] : memref<100000x128xf32, #tpu.memory_space<hbm>> -> memref<100000x128xf32, #tpu.memory_space<hbm>>
    tpu.enqueue_indirect_dma source(%dma_start3A_94 : memref<100000x128xf32, #tpu.memory_space<hbm>>) target(%dma_start3A_88 : memref<128x128xf32, #tpu.memory_space<vmem>>) offsets(%dma_start3A_91 : memref<128xi32, #tpu.memory_space<vmem>>) semaphore(%arg9 : memref<!tpu.dma_semaphore, #tpu.memory_space<semaphore_mem>>)
    %dma_start3A_95 = arith.constant 1 : i32
    %dma_start3A_96 = arith.constant 1 : i32
    %dma_start3A_97 = arith.constant 0 : i32
    %dma_start3A_98 = arith.constant 0 : i32
    %dma_start3A_99 = tpu.memref_slice %arg6[%dma_start3A_96, %dma_start3A_97, %dma_start3A_98] : memref<5x128x128xf32, #tpu.memory_space<vmem>> -> memref<1x128x128xf32, #tpu.memory_space<vmem>>
    %dma_start3A_100 = tpu.memref_squeeze %dma_start3A_99 : memref<1x128x128xf32, #tpu.memory_space<vmem>> -> memref<128x128xf32, #tpu.memory_space<vmem>>
    %dma_start3A_101 = arith.constant 0 : i32
    %dma_start3A_102 = tpu.memref_slice %arg5[%dma_start3A_95, %dma_start3A_101] : memref<200x128xi32, #tpu.memory_space<vmem>> -> memref<1x128xi32, #tpu.memory_space<vmem>>
    %dma_start3A_103 = tpu.memref_squeeze %dma_start3A_102 : memref<1x128xi32, #tpu.memory_space<vmem>> -> memref<128xi32, #tpu.memory_space<vmem>>
    %dma_start3A_104 = arith.constant 0 : i32
    %dma_start3A_105 = arith.constant 0 : i32
    %dma_start3A_106 = tpu.memref_slice %arg3[%dma_start3A_104, %dma_start3A_105] : memref<100000x128xf32, #tpu.memory_space<hbm>> -> memref<100000x128xf32, #tpu.memory_space<hbm>>
    tpu.enqueue_indirect_dma source(%dma_start3A_106 : memref<100000x128xf32, #tpu.memory_space<hbm>>) target(%dma_start3A_100 : memref<128x128xf32, #tpu.memory_space<vmem>>) offsets(%dma_start3A_103 : memref<128xi32, #tpu.memory_space<vmem>>) semaphore(%arg10 : memref<!tpu.dma_semaphore, #tpu.memory_space<semaphore_mem>>)
    %dma_start3A_107 = arith.constant 2 : i32
    %dma_start3A_108 = arith.constant 2 : i32
    %dma_start3A_109 = arith.constant 0 : i32
    %dma_start3A_110 = arith.constant 0 : i32
    %dma_start3A_111 = tpu.memref_slice %arg6[%dma_start3A_108, %dma_start3A_109, %dma_start3A_110] : memref<5x128x128xf32, #tpu.memory_space<vmem>> -> memref<1x128x128xf32, #tpu.memory_space<vmem>>
    %dma_start3A_112 = tpu.memref_squeeze %dma_start3A_111 : memref<1x128x128xf32, #tpu.memory_space<vmem>> -> memref<128x128xf32, #tpu.memory_space<vmem>>
    %dma_start3A_113 = arith.constant 0 : i32
    %dma_start3A_114 = tpu.memref_slice %arg5[%dma_start3A_107, %dma_start3A_113] : memref<200x128xi32, #tpu.memory_space<vmem>> -> memref<1x128xi32, #tpu.memory_space<vmem>>
    %dma_start3A_115 = tpu.memref_squeeze %dma_start3A_114 : memref<1x128xi32, #tpu.memory_space<vmem>> -> memref<128xi32, #tpu.memory_space<vmem>>
    %dma_start3A_116 = arith.constant 0 : i32
    %dma_start3A_117 = arith.constant 0 : i32
    %dma_start3A_118 = tpu.memref_slice %arg3[%dma_start3A_116, %dma_start3A_117] : memref<100000x128xf32, #tpu.memory_space<hbm>> -> memref<100000x128xf32, #tpu.memory_space<hbm>>
    tpu.enqueue_indirect_dma source(%dma_start3A_118 : memref<100000x128xf32, #tpu.memory_space<hbm>>) target(%dma_start3A_112 : memref<128x128xf32, #tpu.memory_space<vmem>>) offsets(%dma_start3A_115 : memref<128xi32, #tpu.memory_space<vmem>>) semaphore(%arg11 : memref<!tpu.dma_semaphore, #tpu.memory_space<semaphore_mem>>)
    %dma_start3A_119 = arith.constant 3 : i32
    %dma_start3A_120 = arith.constant 3 : i32
    %dma_start3A_121 = arith.constant 0 : i32
    %dma_start3A_122 = arith.constant 0 : i32
    %dma_start3A_123 = tpu.memref_slice %arg6[%dma_start3A_120, %dma_start3A_121, %dma_start3A_122] : memref<5x128x128xf32, #tpu.memory_space<vmem>> -> memref<1x128x128xf32, #tpu.memory_space<vmem>>
    %dma_start3A_124 = tpu.memref_squeeze %dma_start3A_123 : memref<1x128x128xf32, #tpu.memory_space<vmem>> -> memref<128x128xf32, #tpu.memory_space<vmem>>
    %dma_start3A_125 = arith.constant 0 : i32
    %dma_start3A_126 = tpu.memref_slice %arg5[%dma_start3A_119, %dma_start3A_125] : memref<200x128xi32, #tpu.memory_space<vmem>> -> memref<1x128xi32, #tpu.memory_space<vmem>>
    %dma_start3A_127 = tpu.memref_squeeze %dma_start3A_126 : memref<1x128xi32, #tpu.memory_space<vmem>> -> memref<128xi32, #tpu.memory_space<vmem>>
    %dma_start3A_128 = arith.constant 0 : i32
    %dma_start3A_129 = arith.constant 0 : i32
    %dma_start3A_130 = tpu.memref_slice %arg3[%dma_start3A_128, %dma_start3A_129] : memref<100000x128xf32, #tpu.memory_space<hbm>> -> memref<100000x128xf32, #tpu.memory_space<hbm>>
    tpu.enqueue_indirect_dma source(%dma_start3A_130 : memref<100000x128xf32, #tpu.memory_space<hbm>>) target(%dma_start3A_124 : memref<128x128xf32, #tpu.memory_space<vmem>>) offsets(%dma_start3A_127 : memref<128xi32, #tpu.memory_space<vmem>>) semaphore(%arg12 : memref<!tpu.dma_semaphore, #tpu.memory_space<semaphore_mem>>)
    %dma_start3A_131 = arith.constant 4 : i32
    %dma_start3A_132 = arith.constant 4 : i32
    %dma_start3A_133 = arith.constant 0 : i32
    %dma_start3A_134 = arith.constant 0 : i32
    %dma_start3A_135 = tpu.memref_slice %arg6[%dma_start3A_132, %dma_start3A_133, %dma_start3A_134] : memref<5x128x128xf32, #tpu.memory_space<vmem>> -> memref<1x128x128xf32, #tpu.memory_space<vmem>>
    %dma_start3A_136 = tpu.memref_squeeze %dma_start3A_135 : memref<1x128x128xf32, #tpu.memory_space<vmem>> -> memref<128x128xf32, #tpu.memory_space<vmem>>
    %dma_start3A_137 = arith.constant 0 : i32
    %dma_start3A_138 = tpu.memref_slice %arg5[%dma_start3A_131, %dma_start3A_137] : memref<200x128xi32, #tpu.memory_space<vmem>> -> memref<1x128xi32, #tpu.memory_space<vmem>>
    %dma_start3A_139 = tpu.memref_squeeze %dma_start3A_138 : memref<1x128xi32, #tpu.memory_space<vmem>> -> memref<128xi32, #tpu.memory_space<vmem>>
    %dma_start3A_140 = arith.constant 0 : i32
    %dma_start3A_141 = arith.constant 0 : i32
    %dma_start3A_142 = tpu.memref_slice %arg3[%dma_start3A_140, %dma_start3A_141] : memref<100000x128xf32, #tpu.memory_space<hbm>> -> memref<100000x128xf32, #tpu.memory_space<hbm>>
    tpu.enqueue_indirect_dma source(%dma_start3A_142 : memref<100000x128xf32, #tpu.memory_space<hbm>>) target(%dma_start3A_136 : memref<128x128xf32, #tpu.memory_space<vmem>>) offsets(%dma_start3A_139 : memref<128xi32, #tpu.memory_space<vmem>>) semaphore(%arg13 : memref<!tpu.dma_semaphore, #tpu.memory_space<semaphore_mem>>)
    %scan3A = arith.constant 0 : i32
    %scan3A_143 = arith.constant 0 : i32
    %scan3A_144 = arith.constant 40 : i32
    %scan3A_145 = arith.addi %scan3A_143, %scan3A_144 : i32
    %scan3A_146 = arith.constant 1 : i32
    scf.for %scan3A_165 = %scan3A_143 to %scan3A_145 step %scan3A_146  : i32 {
      %mul3A_166 = arith.constant 5 : i32
      %mul3A_167 = arith.muli %mul3A_166, %scan3A_165 : i32
      %add3A_168 = arith.constant 0 : i32
      %add3A_169 = arith.addi %mul3A_167, %add3A_168 : i32
      %eq3A = arith.constant 4 : i32
      %eq3A_170 = arith.cmpi eq, %add3A_169, %eq3A : i32
      %convert_element_type3A = arith.extui %eq3A_170 : i1 to i32
      %cond3A = arith.constant 0 : i32
      %cond3A_171 = arith.cmpi ne, %convert_element_type3A, %cond3A : i32
      scf.if %cond3A_171 {
        %dma_wait3A_341 = arith.constant 8 : i32
        %dma_wait3A_342 = arith.constant 0 : i32
        %dma_wait3A_343 = tpu.memref_slice %arg5[%dma_wait3A_341, %dma_wait3A_342] : memref<200x128xi32, #tpu.memory_space<vmem>> -> memref<192x128xi32, #tpu.memory_space<vmem>>
        %dma_wait3A_344 = arith.constant 8 : i32
        %dma_wait3A_345 = tpu.memref_slice %arg2[%dma_wait3A_344, %mul3A_2] : memref<200x4096xi32, #tpu.memory_space<hbm>> -> memref<192x128xi32, #tpu.memory_space<hbm>>
        %dma_wait3A_346 = arith.constant 8 : i32
        %dma_wait3A_347 = arith.constant 0 : i32
        %dma_wait3A_348 = tpu.memref_slice %arg5[%dma_wait3A_346, %dma_wait3A_347] : memref<200x128xi32, #tpu.memory_space<vmem>> -> memref<192x128xi32, #tpu.memory_space<vmem>>
        %dma_wait3A_349 = arith.constant 8 : i32
        %dma_wait3A_350 = tpu.memref_slice %arg2[%dma_wait3A_349, %mul3A_2] : memref<200x4096xi32, #tpu.memory_space<hbm>> -> memref<192x128xi32, #tpu.memory_space<hbm>>
        tpu.wait_dma2 semaphore(%arg15 : memref<!tpu.dma_semaphore, #tpu.memory_space<semaphore_mem>>) src(%dma_wait3A_350 : memref<192x128xi32, #tpu.memory_space<hbm>>) dst(%dma_wait3A_348 : memref<192x128xi32, #tpu.memory_space<vmem>>)
      } else {
      }
      %ge3A = arith.constant 1 : i32
      %ge3A_172 = arith.cmpi sge, %add3A_169, %ge3A : i32
      %convert_element_type3A_173 = arith.extui %ge3A_172 : i1 to i32
      %cond3A_174 = arith.constant 0 : i32
      %cond3A_175 = arith.cmpi ne, %convert_element_type3A_173, %cond3A_174 : i32
      scf.if %cond3A_175 {
        %dma_wait3A_341 = arith.constant 0 : i32
        %dma_wait3A_342 = arith.constant 0 : i32
        %dma_wait3A_343 = arith.constant 0 : i32
        %dma_wait3A_344 = tpu.memref_slice %arg6[%dma_wait3A_341, %dma_wait3A_342, %dma_wait3A_343] : memref<5x128x128xf32, #tpu.memory_space<vmem>> -> memref<1x128x128xf32, #tpu.memory_space<vmem>>
        %dma_wait3A_345 = tpu.memref_squeeze %dma_wait3A_344 : memref<1x128x128xf32, #tpu.memory_space<vmem>> -> memref<128x128xf32, #tpu.memory_space<vmem>>
        %dma_wait3A_346 = arith.constant 0 : i32
        %dma_wait3A_347 = arith.constant 0 : i32
        %dma_wait3A_348 = tpu.memref_slice %arg8[%dma_wait3A_346, %dma_wait3A_347] : memref<2048x128xf32, #tpu.memory_space<vmem_shared>> -> memref<2048x128xf32, #tpu.memory_space<vmem_shared>>
        tpu.wait_indirect_dma semaphore(%arg14 : memref<!tpu.dma_semaphore, #tpu.memory_space<semaphore_mem>>) src(%dma_wait3A_345 : memref<128x128xf32, #tpu.memory_space<vmem>>) dst(%dma_wait3A_348 : memref<2048x128xf32, #tpu.memory_space<vmem_shared>>)
        %add3A_349 = arith.constant 5 : i32
        %add3A_350 = arith.addi %add3A_169, %add3A_349 : i32
        %sub3A = arith.constant 1 : i32
        %sub3A_351 = arith.subi %add3A_350, %sub3A : i32
        %lt3A_352 = arith.constant 200 : i32
        %lt3A_353 = arith.cmpi slt, %sub3A_351, %lt3A_352 : i32
        %convert_element_type3A_354 = arith.extui %lt3A_353 : i1 to i32
        %cond3A_355 = arith.constant 0 : i32
        %cond3A_356 = arith.cmpi ne, %convert_element_type3A_354, %cond3A_355 : i32
        scf.if %cond3A_356 {
          %add3A_357 = arith.constant 5 : i32
          %add3A_358 = arith.addi %add3A_169, %add3A_357 : i32
          %sub3A_359 = arith.constant 1 : i32
          %sub3A_360 = arith.subi %add3A_358, %sub3A_359 : i32
          %dma_start3A_361 = arith.constant 4 : i32
          %dma_start3A_362 = arith.constant 0 : i32
          %dma_start3A_363 = arith.constant 0 : i32
          %dma_start3A_364 = tpu.memref_slice %arg6[%dma_start3A_361, %dma_start3A_362, %dma_start3A_363] : memref<5x128x128xf32, #tpu.memory_space<vmem>> -> memref<1x128x128xf32, #tpu.memory_space<vmem>>
          %dma_start3A_365 = tpu.memref_squeeze %dma_start3A_364 : memref<1x128x128xf32, #tpu.memory_space<vmem>> -> memref<128x128xf32, #tpu.memory_space<vmem>>
          %dma_start3A_366 = arith.constant 0 : i32
          %dma_start3A_367 = tpu.memref_slice %arg5[%sub3A_360, %dma_start3A_366] : memref<200x128xi32, #tpu.memory_space<vmem>> -> memref<1x128xi32, #tpu.memory_space<vmem>>
          %dma_start3A_368 = tpu.memref_squeeze %dma_start3A_367 : memref<1x128xi32, #tpu.memory_space<vmem>> -> memref<128xi32, #tpu.memory_space<vmem>>
          %dma_start3A_369 = arith.constant 0 : i32
          %dma_start3A_370 = arith.constant 0 : i32
          %dma_start3A_371 = tpu.memref_slice %arg3[%dma_start3A_369, %dma_start3A_370] : memref<100000x128xf32, #tpu.memory_space<hbm>> -> memref<100000x128xf32, #tpu.memory_space<hbm>>
          tpu.enqueue_indirect_dma source(%dma_start3A_371 : memref<100000x128xf32, #tpu.memory_space<hbm>>) target(%dma_start3A_365 : memref<128x128xf32, #tpu.memory_space<vmem>>) offsets(%dma_start3A_368 : memref<128xi32, #tpu.memory_space<vmem>>) semaphore(%arg13 : memref<!tpu.dma_semaphore, #tpu.memory_space<semaphore_mem>>)
        } else {
        }
      } else {
      }
      %dma_wait3A_176 = arith.constant 0 : i32
      %dma_wait3A_177 = arith.constant 0 : i32
      %dma_wait3A_178 = arith.constant 0 : i32
      %dma_wait3A_179 = arith.constant 0 : i32
      %dma_wait3A_180 = tpu.memref_slice %arg6[%dma_wait3A_177, %dma_wait3A_178, %dma_wait3A_179] : memref<5x128x128xf32, #tpu.memory_space<vmem>> -> memref<1x128x128xf32, #tpu.memory_space<vmem>>
      %dma_wait3A_181 = tpu.memref_squeeze %dma_wait3A_180 : memref<1x128x128xf32, #tpu.memory_space<vmem>> -> memref<128x128xf32, #tpu.memory_space<vmem>>
      %dma_wait3A_182 = arith.constant 0 : i32
      %dma_wait3A_183 = tpu.memref_slice %arg5[%dma_wait3A_176, %dma_wait3A_182] : memref<200x128xi32, #tpu.memory_space<vmem>> -> memref<1x128xi32, #tpu.memory_space<vmem>>
      %dma_wait3A_184 = tpu.memref_squeeze %dma_wait3A_183 : memref<1x128xi32, #tpu.memory_space<vmem>> -> memref<128xi32, #tpu.memory_space<vmem>>
      %dma_wait3A_185 = arith.constant 0 : i32
      %dma_wait3A_186 = arith.constant 0 : i32
      %dma_wait3A_187 = tpu.memref_slice %arg3[%dma_wait3A_185, %dma_wait3A_186] : memref<100000x128xf32, #tpu.memory_space<hbm>> -> memref<100000x128xf32, #tpu.memory_space<hbm>>
      tpu.wait_indirect_dma semaphore(%arg9 : memref<!tpu.dma_semaphore, #tpu.memory_space<semaphore_mem>>) src(%dma_wait3A_187 : memref<100000x128xf32, #tpu.memory_space<hbm>>) dst(%dma_wait3A_181 : memref<128x128xf32, #tpu.memory_space<vmem>>)
      %ge3A_188 = arith.constant 1 : i32
      %ge3A_189 = arith.cmpi sge, %add3A_169, %ge3A_188 : i32
      %convert_element_type3A_190 = arith.extui %ge3A_189 : i1 to i32
      %cond3A_191 = arith.constant 0 : i32
      %cond3A_192 = arith.cmpi ne, %convert_element_type3A_190, %cond3A_191 : i32
      scf.if %cond3A_192 {
        %dma_start3A_341 = arith.constant 0 : i32
        %dma_start3A_342 = arith.constant 0 : i32
        %dma_start3A_343 = arith.constant 0 : i32
        %dma_start3A_344 = tpu.memref_slice %arg6[%dma_start3A_341, %dma_start3A_342, %dma_start3A_343] : memref<5x128x128xf32, #tpu.memory_space<vmem>> -> memref<1x128x128xf32, #tpu.memory_space<vmem>>
        %dma_start3A_345 = tpu.memref_squeeze %dma_start3A_344 : memref<1x128x128xf32, #tpu.memory_space<vmem>> -> memref<128x128xf32, #tpu.memory_space<vmem>>
        %dma_start3A_346 = arith.constant 0 : i32
        %dma_start3A_347 = arith.constant 0 : i32
        %dma_start3A_348 = tpu.memref_slice %arg8[%dma_start3A_346, %dma_start3A_347] : memref<2048x128xf32, #tpu.memory_space<vmem_shared>> -> memref<2048x128xf32, #tpu.memory_space<vmem_shared>>
        tpu.enqueue_indirect_dma source(%dma_start3A_345 : memref<128x128xf32, #tpu.memory_space<vmem>>) target(%dma_start3A_348 : memref<2048x128xf32, #tpu.memory_space<vmem_shared>>) offsets(%arg7 : memref<128xi32, #tpu.memory_space<vmem>>) semaphore(%arg14 : memref<!tpu.dma_semaphore, #tpu.memory_space<semaphore_mem>>) {add = true}
      } else {
      }
      %lt3A = arith.constant 1 : i32
      %lt3A_193 = arith.cmpi slt, %add3A_169, %lt3A : i32
      %convert_element_type3A_194 = arith.extui %lt3A_193 : i1 to i32
      %cond3A_195 = arith.constant 0 : i32
      %cond3A_196 = arith.cmpi ne, %convert_element_type3A_194, %cond3A_195 : i32
      scf.if %cond3A_196 {
        %dma_start3A_341 = arith.constant 0 : i32
        %dma_start3A_342 = arith.constant 0 : i32
        %dma_start3A_343 = arith.constant 0 : i32
        %dma_start3A_344 = tpu.memref_slice %arg6[%dma_start3A_341, %dma_start3A_342, %dma_start3A_343] : memref<5x128x128xf32, #tpu.memory_space<vmem>> -> memref<1x128x128xf32, #tpu.memory_space<vmem>>
        %dma_start3A_345 = tpu.memref_squeeze %dma_start3A_344 : memref<1x128x128xf32, #tpu.memory_space<vmem>> -> memref<128x128xf32, #tpu.memory_space<vmem>>
        %dma_start3A_346 = arith.constant 0 : i32
        %dma_start3A_347 = arith.constant 0 : i32
        %dma_start3A_348 = tpu.memref_slice %arg8[%dma_start3A_346, %dma_start3A_347] : memref<2048x128xf32, #tpu.memory_space<vmem_shared>> -> memref<2048x128xf32, #tpu.memory_space<vmem_shared>>
        tpu.enqueue_indirect_dma source(%dma_start3A_345 : memref<128x128xf32, #tpu.memory_space<vmem>>) target(%dma_start3A_348 : memref<2048x128xf32, #tpu.memory_space<vmem_shared>>) offsets(%arg7 : memref<128xi32, #tpu.memory_space<vmem>>) semaphore(%arg14 : memref<!tpu.dma_semaphore, #tpu.memory_space<semaphore_mem>>)
      } else {
      }
      %mul3A_197 = arith.constant 5 : i32
      %mul3A_198 = arith.muli %mul3A_197, %scan3A_165 : i32
      %add3A_199 = arith.constant 1 : i32
      %add3A_200 = arith.addi %mul3A_198, %add3A_199 : i32
      %eq3A_201 = arith.constant 4 : i32
      %eq3A_202 = arith.cmpi eq, %add3A_200, %eq3A_201 : i32
      %convert_element_type3A_203 = arith.extui %eq3A_202 : i1 to i32
      %cond3A_204 = arith.constant 0 : i32
      %cond3A_205 = arith.cmpi ne, %convert_element_type3A_203, %cond3A_204 : i32
      scf.if %cond3A_205 {
        %dma_wait3A_341 = arith.constant 8 : i32
        %dma_wait3A_342 = arith.constant 0 : i32
        %dma_wait3A_343 = tpu.memref_slice %arg5[%dma_wait3A_341, %dma_wait3A_342] : memref<200x128xi32, #tpu.memory_space<vmem>> -> memref<192x128xi32, #tpu.memory_space<vmem>>
        %dma_wait3A_344 = arith.constant 8 : i32
        %dma_wait3A_345 = tpu.memref_slice %arg2[%dma_wait3A_344, %mul3A_2] : memref<200x4096xi32, #tpu.memory_space<hbm>> -> memref<192x128xi32, #tpu.memory_space<hbm>>
        %dma_wait3A_346 = arith.constant 8 : i32
        %dma_wait3A_347 = arith.constant 0 : i32
        %dma_wait3A_348 = tpu.memref_slice %arg5[%dma_wait3A_346, %dma_wait3A_347] : memref<200x128xi32, #tpu.memory_space<vmem>> -> memref<192x128xi32, #tpu.memory_space<vmem>>
        %dma_wait3A_349 = arith.constant 8 : i32
        %dma_wait3A_350 = tpu.memref_slice %arg2[%dma_wait3A_349, %mul3A_2] : memref<200x4096xi32, #tpu.memory_space<hbm>> -> memref<192x128xi32, #tpu.memory_space<hbm>>
        tpu.wait_dma2 semaphore(%arg15 : memref<!tpu.dma_semaphore, #tpu.memory_space<semaphore_mem>>) src(%dma_wait3A_350 : memref<192x128xi32, #tpu.memory_space<hbm>>) dst(%dma_wait3A_348 : memref<192x128xi32, #tpu.memory_space<vmem>>)
      } else {
      }
      %ge3A_206 = arith.constant 1 : i32
      %ge3A_207 = arith.cmpi sge, %add3A_200, %ge3A_206 : i32
      %convert_element_type3A_208 = arith.extui %ge3A_207 : i1 to i32
      %cond3A_209 = arith.constant 0 : i32
      %cond3A_210 = arith.cmpi ne, %convert_element_type3A_208, %cond3A_209 : i32
      scf.if %cond3A_210 {
        %dma_wait3A_341 = arith.constant 0 : i32
        %dma_wait3A_342 = arith.constant 0 : i32
        %dma_wait3A_343 = arith.constant 0 : i32
        %dma_wait3A_344 = tpu.memref_slice %arg6[%dma_wait3A_341, %dma_wait3A_342, %dma_wait3A_343] : memref<5x128x128xf32, #tpu.memory_space<vmem>> -> memref<1x128x128xf32, #tpu.memory_space<vmem>>
        %dma_wait3A_345 = tpu.memref_squeeze %dma_wait3A_344 : memref<1x128x128xf32, #tpu.memory_space<vmem>> -> memref<128x128xf32, #tpu.memory_space<vmem>>
        %dma_wait3A_346 = arith.constant 0 : i32
        %dma_wait3A_347 = arith.constant 0 : i32
        %dma_wait3A_348 = tpu.memref_slice %arg8[%dma_wait3A_346, %dma_wait3A_347] : memref<2048x128xf32, #tpu.memory_space<vmem_shared>> -> memref<2048x128xf32, #tpu.memory_space<vmem_shared>>
        tpu.wait_indirect_dma semaphore(%arg14 : memref<!tpu.dma_semaphore, #tpu.memory_space<semaphore_mem>>) src(%dma_wait3A_345 : memref<128x128xf32, #tpu.memory_space<vmem>>) dst(%dma_wait3A_348 : memref<2048x128xf32, #tpu.memory_space<vmem_shared>>)
        %add3A_349 = arith.constant 5 : i32
        %add3A_350 = arith.addi %add3A_200, %add3A_349 : i32
        %sub3A = arith.constant 1 : i32
        %sub3A_351 = arith.subi %add3A_350, %sub3A : i32
        %lt3A_352 = arith.constant 200 : i32
        %lt3A_353 = arith.cmpi slt, %sub3A_351, %lt3A_352 : i32
        %convert_element_type3A_354 = arith.extui %lt3A_353 : i1 to i32
        %cond3A_355 = arith.constant 0 : i32
        %cond3A_356 = arith.cmpi ne, %convert_element_type3A_354, %cond3A_355 : i32
        scf.if %cond3A_356 {
          %add3A_357 = arith.constant 5 : i32
          %add3A_358 = arith.addi %add3A_200, %add3A_357 : i32
          %sub3A_359 = arith.constant 1 : i32
          %sub3A_360 = arith.subi %add3A_358, %sub3A_359 : i32
          %dma_start3A_361 = arith.constant 0 : i32
          %dma_start3A_362 = arith.constant 0 : i32
          %dma_start3A_363 = arith.constant 0 : i32
          %dma_start3A_364 = tpu.memref_slice %arg6[%dma_start3A_361, %dma_start3A_362, %dma_start3A_363] : memref<5x128x128xf32, #tpu.memory_space<vmem>> -> memref<1x128x128xf32, #tpu.memory_space<vmem>>
          %dma_start3A_365 = tpu.memref_squeeze %dma_start3A_364 : memref<1x128x128xf32, #tpu.memory_space<vmem>> -> memref<128x128xf32, #tpu.memory_space<vmem>>
          %dma_start3A_366 = arith.constant 0 : i32
          %dma_start3A_367 = tpu.memref_slice %arg5[%sub3A_360, %dma_start3A_366] : memref<200x128xi32, #tpu.memory_space<vmem>> -> memref<1x128xi32, #tpu.memory_space<vmem>>
          %dma_start3A_368 = tpu.memref_squeeze %dma_start3A_367 : memref<1x128xi32, #tpu.memory_space<vmem>> -> memref<128xi32, #tpu.memory_space<vmem>>
          %dma_start3A_369 = arith.constant 0 : i32
          %dma_start3A_370 = arith.constant 0 : i32
          %dma_start3A_371 = tpu.memref_slice %arg3[%dma_start3A_369, %dma_start3A_370] : memref<100000x128xf32, #tpu.memory_space<hbm>> -> memref<100000x128xf32, #tpu.memory_space<hbm>>
          tpu.enqueue_indirect_dma source(%dma_start3A_371 : memref<100000x128xf32, #tpu.memory_space<hbm>>) target(%dma_start3A_365 : memref<128x128xf32, #tpu.memory_space<vmem>>) offsets(%dma_start3A_368 : memref<128xi32, #tpu.memory_space<vmem>>) semaphore(%arg9 : memref<!tpu.dma_semaphore, #tpu.memory_space<semaphore_mem>>)
        } else {
        }
      } else {
      }
      %dma_wait3A_211 = arith.constant 0 : i32
      %dma_wait3A_212 = arith.constant 1 : i32
      %dma_wait3A_213 = arith.constant 0 : i32
      %dma_wait3A_214 = arith.constant 0 : i32
      %dma_wait3A_215 = tpu.memref_slice %arg6[%dma_wait3A_212, %dma_wait3A_213, %dma_wait3A_214] : memref<5x128x128xf32, #tpu.memory_space<vmem>> -> memref<1x128x128xf32, #tpu.memory_space<vmem>>
      %dma_wait3A_216 = tpu.memref_squeeze %dma_wait3A_215 : memref<1x128x128xf32, #tpu.memory_space<vmem>> -> memref<128x128xf32, #tpu.memory_space<vmem>>
      %dma_wait3A_217 = arith.constant 0 : i32
      %dma_wait3A_218 = tpu.memref_slice %arg5[%dma_wait3A_211, %dma_wait3A_217] : memref<200x128xi32, #tpu.memory_space<vmem>> -> memref<1x128xi32, #tpu.memory_space<vmem>>
      %dma_wait3A_219 = tpu.memref_squeeze %dma_wait3A_218 : memref<1x128xi32, #tpu.memory_space<vmem>> -> memref<128xi32, #tpu.memory_space<vmem>>
      %dma_wait3A_220 = arith.constant 0 : i32
      %dma_wait3A_221 = arith.constant 0 : i32
      %dma_wait3A_222 = tpu.memref_slice %arg3[%dma_wait3A_220, %dma_wait3A_221] : memref<100000x128xf32, #tpu.memory_space<hbm>> -> memref<100000x128xf32, #tpu.memory_space<hbm>>
      tpu.wait_indirect_dma semaphore(%arg10 : memref<!tpu.dma_semaphore, #tpu.memory_space<semaphore_mem>>) src(%dma_wait3A_222 : memref<100000x128xf32, #tpu.memory_space<hbm>>) dst(%dma_wait3A_216 : memref<128x128xf32, #tpu.memory_space<vmem>>)
      %ge3A_223 = arith.constant 1 : i32
      %ge3A_224 = arith.cmpi sge, %add3A_200, %ge3A_223 : i32
      %convert_element_type3A_225 = arith.extui %ge3A_224 : i1 to i32
      %cond3A_226 = arith.constant 0 : i32
      %cond3A_227 = arith.cmpi ne, %convert_element_type3A_225, %cond3A_226 : i32
      scf.if %cond3A_227 {
        %dma_start3A_341 = arith.constant 1 : i32
        %dma_start3A_342 = arith.constant 0 : i32
        %dma_start3A_343 = arith.constant 0 : i32
        %dma_start3A_344 = tpu.memref_slice %arg6[%dma_start3A_341, %dma_start3A_342, %dma_start3A_343] : memref<5x128x128xf32, #tpu.memory_space<vmem>> -> memref<1x128x128xf32, #tpu.memory_space<vmem>>
        %dma_start3A_345 = tpu.memref_squeeze %dma_start3A_344 : memref<1x128x128xf32, #tpu.memory_space<vmem>> -> memref<128x128xf32, #tpu.memory_space<vmem>>
        %dma_start3A_346 = arith.constant 0 : i32
        %dma_start3A_347 = arith.constant 0 : i32
        %dma_start3A_348 = tpu.memref_slice %arg8[%dma_start3A_346, %dma_start3A_347] : memref<2048x128xf32, #tpu.memory_space<vmem_shared>> -> memref<2048x128xf32, #tpu.memory_space<vmem_shared>>
        tpu.enqueue_indirect_dma source(%dma_start3A_345 : memref<128x128xf32, #tpu.memory_space<vmem>>) target(%dma_start3A_348 : memref<2048x128xf32, #tpu.memory_space<vmem_shared>>) offsets(%arg7 : memref<128xi32, #tpu.memory_space<vmem>>) semaphore(%arg14 : memref<!tpu.dma_semaphore, #tpu.memory_space<semaphore_mem>>) {add = true}
      } else {
      }
      %lt3A_228 = arith.constant 1 : i32
      %lt3A_229 = arith.cmpi slt, %add3A_200, %lt3A_228 : i32
      %convert_element_type3A_230 = arith.extui %lt3A_229 : i1 to i32
      %cond3A_231 = arith.constant 0 : i32
      %cond3A_232 = arith.cmpi ne, %convert_element_type3A_230, %cond3A_231 : i32
      scf.if %cond3A_232 {
        %dma_start3A_341 = arith.constant 1 : i32
        %dma_start3A_342 = arith.constant 0 : i32
        %dma_start3A_343 = arith.constant 0 : i32
        %dma_start3A_344 = tpu.memref_slice %arg6[%dma_start3A_341, %dma_start3A_342, %dma_start3A_343] : memref<5x128x128xf32, #tpu.memory_space<vmem>> -> memref<1x128x128xf32, #tpu.memory_space<vmem>>
        %dma_start3A_345 = tpu.memref_squeeze %dma_start3A_344 : memref<1x128x128xf32, #tpu.memory_space<vmem>> -> memref<128x128xf32, #tpu.memory_space<vmem>>
        %dma_start3A_346 = arith.constant 0 : i32
        %dma_start3A_347 = arith.constant 0 : i32
        %dma_start3A_348 = tpu.memref_slice %arg8[%dma_start3A_346, %dma_start3A_347] : memref<2048x128xf32, #tpu.memory_space<vmem_shared>> -> memref<2048x128xf32, #tpu.memory_space<vmem_shared>>
        tpu.enqueue_indirect_dma source(%dma_start3A_345 : memref<128x128xf32, #tpu.memory_space<vmem>>) target(%dma_start3A_348 : memref<2048x128xf32, #tpu.memory_space<vmem_shared>>) offsets(%arg7 : memref<128xi32, #tpu.memory_space<vmem>>) semaphore(%arg14 : memref<!tpu.dma_semaphore, #tpu.memory_space<semaphore_mem>>)
      } else {
      }
      %mul3A_233 = arith.constant 5 : i32
      %mul3A_234 = arith.muli %mul3A_233, %scan3A_165 : i32
      %add3A_235 = arith.constant 2 : i32
      %add3A_236 = arith.addi %mul3A_234, %add3A_235 : i32
      %eq3A_237 = arith.constant 4 : i32
      %eq3A_238 = arith.cmpi eq, %add3A_236, %eq3A_237 : i32
      %convert_element_type3A_239 = arith.extui %eq3A_238 : i1 to i32
      %cond3A_240 = arith.constant 0 : i32
      %cond3A_241 = arith.cmpi ne, %convert_element_type3A_239, %cond3A_240 : i32
      scf.if %cond3A_241 {
        %dma_wait3A_341 = arith.constant 8 : i32
        %dma_wait3A_342 = arith.constant 0 : i32
        %dma_wait3A_343 = tpu.memref_slice %arg5[%dma_wait3A_341, %dma_wait3A_342] : memref<200x128xi32, #tpu.memory_space<vmem>> -> memref<192x128xi32, #tpu.memory_space<vmem>>
        %dma_wait3A_344 = arith.constant 8 : i32
        %dma_wait3A_345 = tpu.memref_slice %arg2[%dma_wait3A_344, %mul3A_2] : memref<200x4096xi32, #tpu.memory_space<hbm>> -> memref<192x128xi32, #tpu.memory_space<hbm>>
        %dma_wait3A_346 = arith.constant 8 : i32
        %dma_wait3A_347 = arith.constant 0 : i32
        %dma_wait3A_348 = tpu.memref_slice %arg5[%dma_wait3A_346, %dma_wait3A_347] : memref<200x128xi32, #tpu.memory_space<vmem>> -> memref<192x128xi32, #tpu.memory_space<vmem>>
        %dma_wait3A_349 = arith.constant 8 : i32
        %dma_wait3A_350 = tpu.memref_slice %arg2[%dma_wait3A_349, %mul3A_2] : memref<200x4096xi32, #tpu.memory_space<hbm>> -> memref<192x128xi32, #tpu.memory_space<hbm>>
        tpu.wait_dma2 semaphore(%arg15 : memref<!tpu.dma_semaphore, #tpu.memory_space<semaphore_mem>>) src(%dma_wait3A_350 : memref<192x128xi32, #tpu.memory_space<hbm>>) dst(%dma_wait3A_348 : memref<192x128xi32, #tpu.memory_space<vmem>>)
      } else {
      }
      %ge3A_242 = arith.constant 1 : i32
      %ge3A_243 = arith.cmpi sge, %add3A_236, %ge3A_242 : i32
      %convert_element_type3A_244 = arith.extui %ge3A_243 : i1 to i32
      %cond3A_245 = arith.constant 0 : i32
      %cond3A_246 = arith.cmpi ne, %convert_element_type3A_244, %cond3A_245 : i32
      scf.if %cond3A_246 {
        %dma_wait3A_341 = arith.constant 0 : i32
        %dma_wait3A_342 = arith.constant 0 : i32
        %dma_wait3A_343 = arith.constant 0 : i32
        %dma_wait3A_344 = tpu.memref_slice %arg6[%dma_wait3A_341, %dma_wait3A_342, %dma_wait3A_343] : memref<5x128x128xf32, #tpu.memory_space<vmem>> -> memref<1x128x128xf32, #tpu.memory_space<vmem>>
        %dma_wait3A_345 = tpu.memref_squeeze %dma_wait3A_344 : memref<1x128x128xf32, #tpu.memory_space<vmem>> -> memref<128x128xf32, #tpu.memory_space<vmem>>
        %dma_wait3A_346 = arith.constant 0 : i32
        %dma_wait3A_347 = arith.constant 0 : i32
        %dma_wait3A_348 = tpu.memref_slice %arg8[%dma_wait3A_346, %dma_wait3A_347] : memref<2048x128xf32, #tpu.memory_space<vmem_shared>> -> memref<2048x128xf32, #tpu.memory_space<vmem_shared>>
        tpu.wait_indirect_dma semaphore(%arg14 : memref<!tpu.dma_semaphore, #tpu.memory_space<semaphore_mem>>) src(%dma_wait3A_345 : memref<128x128xf32, #tpu.memory_space<vmem>>) dst(%dma_wait3A_348 : memref<2048x128xf32, #tpu.memory_space<vmem_shared>>)
        %add3A_349 = arith.constant 5 : i32
        %add3A_350 = arith.addi %add3A_236, %add3A_349 : i32
        %sub3A = arith.constant 1 : i32
        %sub3A_351 = arith.subi %add3A_350, %sub3A : i32
        %lt3A_352 = arith.constant 200 : i32
        %lt3A_353 = arith.cmpi slt, %sub3A_351, %lt3A_352 : i32
        %convert_element_type3A_354 = arith.extui %lt3A_353 : i1 to i32
        %cond3A_355 = arith.constant 0 : i32
        %cond3A_356 = arith.cmpi ne, %convert_element_type3A_354, %cond3A_355 : i32
        scf.if %cond3A_356 {
          %add3A_357 = arith.constant 5 : i32
          %add3A_358 = arith.addi %add3A_236, %add3A_357 : i32
          %sub3A_359 = arith.constant 1 : i32
          %sub3A_360 = arith.subi %add3A_358, %sub3A_359 : i32
          %dma_start3A_361 = arith.constant 1 : i32
          %dma_start3A_362 = arith.constant 0 : i32
          %dma_start3A_363 = arith.constant 0 : i32
          %dma_start3A_364 = tpu.memref_slice %arg6[%dma_start3A_361, %dma_start3A_362, %dma_start3A_363] : memref<5x128x128xf32, #tpu.memory_space<vmem>> -> memref<1x128x128xf32, #tpu.memory_space<vmem>>
          %dma_start3A_365 = tpu.memref_squeeze %dma_start3A_364 : memref<1x128x128xf32, #tpu.memory_space<vmem>> -> memref<128x128xf32, #tpu.memory_space<vmem>>
          %dma_start3A_366 = arith.constant 0 : i32
          %dma_start3A_367 = tpu.memref_slice %arg5[%sub3A_360, %dma_start3A_366] : memref<200x128xi32, #tpu.memory_space<vmem>> -> memref<1x128xi32, #tpu.memory_space<vmem>>
          %dma_start3A_368 = tpu.memref_squeeze %dma_start3A_367 : memref<1x128xi32, #tpu.memory_space<vmem>> -> memref<128xi32, #tpu.memory_space<vmem>>
          %dma_start3A_369 = arith.constant 0 : i32
          %dma_start3A_370 = arith.constant 0 : i32
          %dma_start3A_371 = tpu.memref_slice %arg3[%dma_start3A_369, %dma_start3A_370] : memref<100000x128xf32, #tpu.memory_space<hbm>> -> memref<100000x128xf32, #tpu.memory_space<hbm>>
          tpu.enqueue_indirect_dma source(%dma_start3A_371 : memref<100000x128xf32, #tpu.memory_space<hbm>>) target(%dma_start3A_365 : memref<128x128xf32, #tpu.memory_space<vmem>>) offsets(%dma_start3A_368 : memref<128xi32, #tpu.memory_space<vmem>>) semaphore(%arg10 : memref<!tpu.dma_semaphore, #tpu.memory_space<semaphore_mem>>)
        } else {
        }
      } else {
      }
      %dma_wait3A_247 = arith.constant 0 : i32
      %dma_wait3A_248 = arith.constant 2 : i32
      %dma_wait3A_249 = arith.constant 0 : i32
      %dma_wait3A_250 = arith.constant 0 : i32
      %dma_wait3A_251 = tpu.memref_slice %arg6[%dma_wait3A_248, %dma_wait3A_249, %dma_wait3A_250] : memref<5x128x128xf32, #tpu.memory_space<vmem>> -> memref<1x128x128xf32, #tpu.memory_space<vmem>>
      %dma_wait3A_252 = tpu.memref_squeeze %dma_wait3A_251 : memref<1x128x128xf32, #tpu.memory_space<vmem>> -> memref<128x128xf32, #tpu.memory_space<vmem>>
      %dma_wait3A_253 = arith.constant 0 : i32
      %dma_wait3A_254 = tpu.memref_slice %arg5[%dma_wait3A_247, %dma_wait3A_253] : memref<200x128xi32, #tpu.memory_space<vmem>> -> memref<1x128xi32, #tpu.memory_space<vmem>>
      %dma_wait3A_255 = tpu.memref_squeeze %dma_wait3A_254 : memref<1x128xi32, #tpu.memory_space<vmem>> -> memref<128xi32, #tpu.memory_space<vmem>>
      %dma_wait3A_256 = arith.constant 0 : i32
      %dma_wait3A_257 = arith.constant 0 : i32
      %dma_wait3A_258 = tpu.memref_slice %arg3[%dma_wait3A_256, %dma_wait3A_257] : memref<100000x128xf32, #tpu.memory_space<hbm>> -> memref<100000x128xf32, #tpu.memory_space<hbm>>
      tpu.wait_indirect_dma semaphore(%arg11 : memref<!tpu.dma_semaphore, #tpu.memory_space<semaphore_mem>>) src(%dma_wait3A_258 : memref<100000x128xf32, #tpu.memory_space<hbm>>) dst(%dma_wait3A_252 : memref<128x128xf32, #tpu.memory_space<vmem>>)
      %ge3A_259 = arith.constant 1 : i32
      %ge3A_260 = arith.cmpi sge, %add3A_236, %ge3A_259 : i32
      %convert_element_type3A_261 = arith.extui %ge3A_260 : i1 to i32
      %cond3A_262 = arith.constant 0 : i32
      %cond3A_263 = arith.cmpi ne, %convert_element_type3A_261, %cond3A_262 : i32
      scf.if %cond3A_263 {
        %dma_start3A_341 = arith.constant 2 : i32
        %dma_start3A_342 = arith.constant 0 : i32
        %dma_start3A_343 = arith.constant 0 : i32
        %dma_start3A_344 = tpu.memref_slice %arg6[%dma_start3A_341, %dma_start3A_342, %dma_start3A_343] : memref<5x128x128xf32, #tpu.memory_space<vmem>> -> memref<1x128x128xf32, #tpu.memory_space<vmem>>
        %dma_start3A_345 = tpu.memref_squeeze %dma_start3A_344 : memref<1x128x128xf32, #tpu.memory_space<vmem>> -> memref<128x128xf32, #tpu.memory_space<vmem>>
        %dma_start3A_346 = arith.constant 0 : i32
        %dma_start3A_347 = arith.constant 0 : i32
        %dma_start3A_348 = tpu.memref_slice %arg8[%dma_start3A_346, %dma_start3A_347] : memref<2048x128xf32, #tpu.memory_space<vmem_shared>> -> memref<2048x128xf32, #tpu.memory_space<vmem_shared>>
        tpu.enqueue_indirect_dma source(%dma_start3A_345 : memref<128x128xf32, #tpu.memory_space<vmem>>) target(%dma_start3A_348 : memref<2048x128xf32, #tpu.memory_space<vmem_shared>>) offsets(%arg7 : memref<128xi32, #tpu.memory_space<vmem>>) semaphore(%arg14 : memref<!tpu.dma_semaphore, #tpu.memory_space<semaphore_mem>>) {add = true}
      } else {
      }
      %lt3A_264 = arith.constant 1 : i32
      %lt3A_265 = arith.cmpi slt, %add3A_236, %lt3A_264 : i32
      %convert_element_type3A_266 = arith.extui %lt3A_265 : i1 to i32
      %cond3A_267 = arith.constant 0 : i32
      %cond3A_268 = arith.cmpi ne, %convert_element_type3A_266, %cond3A_267 : i32
      scf.if %cond3A_268 {
        %dma_start3A_341 = arith.constant 2 : i32
        %dma_start3A_342 = arith.constant 0 : i32
        %dma_start3A_343 = arith.constant 0 : i32
        %dma_start3A_344 = tpu.memref_slice %arg6[%dma_start3A_341, %dma_start3A_342, %dma_start3A_343] : memref<5x128x128xf32, #tpu.memory_space<vmem>> -> memref<1x128x128xf32, #tpu.memory_space<vmem>>
        %dma_start3A_345 = tpu.memref_squeeze %dma_start3A_344 : memref<1x128x128xf32, #tpu.memory_space<vmem>> -> memref<128x128xf32, #tpu.memory_space<vmem>>
        %dma_start3A_346 = arith.constant 0 : i32
        %dma_start3A_347 = arith.constant 0 : i32
        %dma_start3A_348 = tpu.memref_slice %arg8[%dma_start3A_346, %dma_start3A_347] : memref<2048x128xf32, #tpu.memory_space<vmem_shared>> -> memref<2048x128xf32, #tpu.memory_space<vmem_shared>>
        tpu.enqueue_indirect_dma source(%dma_start3A_345 : memref<128x128xf32, #tpu.memory_space<vmem>>) target(%dma_start3A_348 : memref<2048x128xf32, #tpu.memory_space<vmem_shared>>) offsets(%arg7 : memref<128xi32, #tpu.memory_space<vmem>>) semaphore(%arg14 : memref<!tpu.dma_semaphore, #tpu.memory_space<semaphore_mem>>)
      } else {
      }
      %mul3A_269 = arith.constant 5 : i32
      %mul3A_270 = arith.muli %mul3A_269, %scan3A_165 : i32
      %add3A_271 = arith.constant 3 : i32
      %add3A_272 = arith.addi %mul3A_270, %add3A_271 : i32
      %eq3A_273 = arith.constant 4 : i32
      %eq3A_274 = arith.cmpi eq, %add3A_272, %eq3A_273 : i32
      %convert_element_type3A_275 = arith.extui %eq3A_274 : i1 to i32
      %cond3A_276 = arith.constant 0 : i32
      %cond3A_277 = arith.cmpi ne, %convert_element_type3A_275, %cond3A_276 : i32
      scf.if %cond3A_277 {
        %dma_wait3A_341 = arith.constant 8 : i32
        %dma_wait3A_342 = arith.constant 0 : i32
        %dma_wait3A_343 = tpu.memref_slice %arg5[%dma_wait3A_341, %dma_wait3A_342] : memref<200x128xi32, #tpu.memory_space<vmem>> -> memref<192x128xi32, #tpu.memory_space<vmem>>
        %dma_wait3A_344 = arith.constant 8 : i32
        %dma_wait3A_345 = tpu.memref_slice %arg2[%dma_wait3A_344, %mul3A_2] : memref<200x4096xi32, #tpu.memory_space<hbm>> -> memref<192x128xi32, #tpu.memory_space<hbm>>
        %dma_wait3A_346 = arith.constant 8 : i32
        %dma_wait3A_347 = arith.constant 0 : i32
        %dma_wait3A_348 = tpu.memref_slice %arg5[%dma_wait3A_346, %dma_wait3A_347] : memref<200x128xi32, #tpu.memory_space<vmem>> -> memref<192x128xi32, #tpu.memory_space<vmem>>
        %dma_wait3A_349 = arith.constant 8 : i32
        %dma_wait3A_350 = tpu.memref_slice %arg2[%dma_wait3A_349, %mul3A_2] : memref<200x4096xi32, #tpu.memory_space<hbm>> -> memref<192x128xi32, #tpu.memory_space<hbm>>
        tpu.wait_dma2 semaphore(%arg15 : memref<!tpu.dma_semaphore, #tpu.memory_space<semaphore_mem>>) src(%dma_wait3A_350 : memref<192x128xi32, #tpu.memory_space<hbm>>) dst(%dma_wait3A_348 : memref<192x128xi32, #tpu.memory_space<vmem>>)
      } else {
      }
      %ge3A_278 = arith.constant 1 : i32
      %ge3A_279 = arith.cmpi sge, %add3A_272, %ge3A_278 : i32
      %convert_element_type3A_280 = arith.extui %ge3A_279 : i1 to i32
      %cond3A_281 = arith.constant 0 : i32
      %cond3A_282 = arith.cmpi ne, %convert_element_type3A_280, %cond3A_281 : i32
      scf.if %cond3A_282 {
        %dma_wait3A_341 = arith.constant 0 : i32
        %dma_wait3A_342 = arith.constant 0 : i32
        %dma_wait3A_343 = arith.constant 0 : i32
        %dma_wait3A_344 = tpu.memref_slice %arg6[%dma_wait3A_341, %dma_wait3A_342, %dma_wait3A_343] : memref<5x128x128xf32, #tpu.memory_space<vmem>> -> memref<1x128x128xf32, #tpu.memory_space<vmem>>
        %dma_wait3A_345 = tpu.memref_squeeze %dma_wait3A_344 : memref<1x128x128xf32, #tpu.memory_space<vmem>> -> memref<128x128xf32, #tpu.memory_space<vmem>>
        %dma_wait3A_346 = arith.constant 0 : i32
        %dma_wait3A_347 = arith.constant 0 : i32
        %dma_wait3A_348 = tpu.memref_slice %arg8[%dma_wait3A_346, %dma_wait3A_347] : memref<2048x128xf32, #tpu.memory_space<vmem_shared>> -> memref<2048x128xf32, #tpu.memory_space<vmem_shared>>
        tpu.wait_indirect_dma semaphore(%arg14 : memref<!tpu.dma_semaphore, #tpu.memory_space<semaphore_mem>>) src(%dma_wait3A_345 : memref<128x128xf32, #tpu.memory_space<vmem>>) dst(%dma_wait3A_348 : memref<2048x128xf32, #tpu.memory_space<vmem_shared>>)
        %add3A_349 = arith.constant 5 : i32
        %add3A_350 = arith.addi %add3A_272, %add3A_349 : i32
        %sub3A = arith.constant 1 : i32
        %sub3A_351 = arith.subi %add3A_350, %sub3A : i32
        %lt3A_352 = arith.constant 200 : i32
        %lt3A_353 = arith.cmpi slt, %sub3A_351, %lt3A_352 : i32
        %convert_element_type3A_354 = arith.extui %lt3A_353 : i1 to i32
        %cond3A_355 = arith.constant 0 : i32
        %cond3A_356 = arith.cmpi ne, %convert_element_type3A_354, %cond3A_355 : i32
        scf.if %cond3A_356 {
          %add3A_357 = arith.constant 5 : i32
          %add3A_358 = arith.addi %add3A_272, %add3A_357 : i32
          %sub3A_359 = arith.constant 1 : i32
          %sub3A_360 = arith.subi %add3A_358, %sub3A_359 : i32
          %dma_start3A_361 = arith.constant 2 : i32
          %dma_start3A_362 = arith.constant 0 : i32
          %dma_start3A_363 = arith.constant 0 : i32
          %dma_start3A_364 = tpu.memref_slice %arg6[%dma_start3A_361, %dma_start3A_362, %dma_start3A_363] : memref<5x128x128xf32, #tpu.memory_space<vmem>> -> memref<1x128x128xf32, #tpu.memory_space<vmem>>
          %dma_start3A_365 = tpu.memref_squeeze %dma_start3A_364 : memref<1x128x128xf32, #tpu.memory_space<vmem>> -> memref<128x128xf32, #tpu.memory_space<vmem>>
          %dma_start3A_366 = arith.constant 0 : i32
          %dma_start3A_367 = tpu.memref_slice %arg5[%sub3A_360, %dma_start3A_366] : memref<200x128xi32, #tpu.memory_space<vmem>> -> memref<1x128xi32, #tpu.memory_space<vmem>>
          %dma_start3A_368 = tpu.memref_squeeze %dma_start3A_367 : memref<1x128xi32, #tpu.memory_space<vmem>> -> memref<128xi32, #tpu.memory_space<vmem>>
          %dma_start3A_369 = arith.constant 0 : i32
          %dma_start3A_370 = arith.constant 0 : i32
          %dma_start3A_371 = tpu.memref_slice %arg3[%dma_start3A_369, %dma_start3A_370] : memref<100000x128xf32, #tpu.memory_space<hbm>> -> memref<100000x128xf32, #tpu.memory_space<hbm>>
          tpu.enqueue_indirect_dma source(%dma_start3A_371 : memref<100000x128xf32, #tpu.memory_space<hbm>>) target(%dma_start3A_365 : memref<128x128xf32, #tpu.memory_space<vmem>>) offsets(%dma_start3A_368 : memref<128xi32, #tpu.memory_space<vmem>>) semaphore(%arg11 : memref<!tpu.dma_semaphore, #tpu.memory_space<semaphore_mem>>)
        } else {
        }
      } else {
      }
      %dma_wait3A_283 = arith.constant 0 : i32
      %dma_wait3A_284 = arith.constant 3 : i32
      %dma_wait3A_285 = arith.constant 0 : i32
      %dma_wait3A_286 = arith.constant 0 : i32
      %dma_wait3A_287 = tpu.memref_slice %arg6[%dma_wait3A_284, %dma_wait3A_285, %dma_wait3A_286] : memref<5x128x128xf32, #tpu.memory_space<vmem>> -> memref<1x128x128xf32, #tpu.memory_space<vmem>>
      %dma_wait3A_288 = tpu.memref_squeeze %dma_wait3A_287 : memref<1x128x128xf32, #tpu.memory_space<vmem>> -> memref<128x128xf32, #tpu.memory_space<vmem>>
      %dma_wait3A_289 = arith.constant 0 : i32
      %dma_wait3A_290 = tpu.memref_slice %arg5[%dma_wait3A_283, %dma_wait3A_289] : memref<200x128xi32, #tpu.memory_space<vmem>> -> memref<1x128xi32, #tpu.memory_space<vmem>>
      %dma_wait3A_291 = tpu.memref_squeeze %dma_wait3A_290 : memref<1x128xi32, #tpu.memory_space<vmem>> -> memref<128xi32, #tpu.memory_space<vmem>>
      %dma_wait3A_292 = arith.constant 0 : i32
      %dma_wait3A_293 = arith.constant 0 : i32
      %dma_wait3A_294 = tpu.memref_slice %arg3[%dma_wait3A_292, %dma_wait3A_293] : memref<100000x128xf32, #tpu.memory_space<hbm>> -> memref<100000x128xf32, #tpu.memory_space<hbm>>
      tpu.wait_indirect_dma semaphore(%arg12 : memref<!tpu.dma_semaphore, #tpu.memory_space<semaphore_mem>>) src(%dma_wait3A_294 : memref<100000x128xf32, #tpu.memory_space<hbm>>) dst(%dma_wait3A_288 : memref<128x128xf32, #tpu.memory_space<vmem>>)
      %ge3A_295 = arith.constant 1 : i32
      %ge3A_296 = arith.cmpi sge, %add3A_272, %ge3A_295 : i32
      %convert_element_type3A_297 = arith.extui %ge3A_296 : i1 to i32
      %cond3A_298 = arith.constant 0 : i32
      %cond3A_299 = arith.cmpi ne, %convert_element_type3A_297, %cond3A_298 : i32
      scf.if %cond3A_299 {
        %dma_start3A_341 = arith.constant 3 : i32
        %dma_start3A_342 = arith.constant 0 : i32
        %dma_start3A_343 = arith.constant 0 : i32
        %dma_start3A_344 = tpu.memref_slice %arg6[%dma_start3A_341, %dma_start3A_342, %dma_start3A_343] : memref<5x128x128xf32, #tpu.memory_space<vmem>> -> memref<1x128x128xf32, #tpu.memory_space<vmem>>
        %dma_start3A_345 = tpu.memref_squeeze %dma_start3A_344 : memref<1x128x128xf32, #tpu.memory_space<vmem>> -> memref<128x128xf32, #tpu.memory_space<vmem>>
        %dma_start3A_346 = arith.constant 0 : i32
        %dma_start3A_347 = arith.constant 0 : i32
        %dma_start3A_348 = tpu.memref_slice %arg8[%dma_start3A_346, %dma_start3A_347] : memref<2048x128xf32, #tpu.memory_space<vmem_shared>> -> memref<2048x128xf32, #tpu.memory_space<vmem_shared>>
        tpu.enqueue_indirect_dma source(%dma_start3A_345 : memref<128x128xf32, #tpu.memory_space<vmem>>) target(%dma_start3A_348 : memref<2048x128xf32, #tpu.memory_space<vmem_shared>>) offsets(%arg7 : memref<128xi32, #tpu.memory_space<vmem>>) semaphore(%arg14 : memref<!tpu.dma_semaphore, #tpu.memory_space<semaphore_mem>>) {add = true}
      } else {
      }
      %lt3A_300 = arith.constant 1 : i32
      %lt3A_301 = arith.cmpi slt, %add3A_272, %lt3A_300 : i32
      %convert_element_type3A_302 = arith.extui %lt3A_301 : i1 to i32
      %cond3A_303 = arith.constant 0 : i32
      %cond3A_304 = arith.cmpi ne, %convert_element_type3A_302, %cond3A_303 : i32
      scf.if %cond3A_304 {
        %dma_start3A_341 = arith.constant 3 : i32
        %dma_start3A_342 = arith.constant 0 : i32
        %dma_start3A_343 = arith.constant 0 : i32
        %dma_start3A_344 = tpu.memref_slice %arg6[%dma_start3A_341, %dma_start3A_342, %dma_start3A_343] : memref<5x128x128xf32, #tpu.memory_space<vmem>> -> memref<1x128x128xf32, #tpu.memory_space<vmem>>
        %dma_start3A_345 = tpu.memref_squeeze %dma_start3A_344 : memref<1x128x128xf32, #tpu.memory_space<vmem>> -> memref<128x128xf32, #tpu.memory_space<vmem>>
        %dma_start3A_346 = arith.constant 0 : i32
        %dma_start3A_347 = arith.constant 0 : i32
        %dma_start3A_348 = tpu.memref_slice %arg8[%dma_start3A_346, %dma_start3A_347] : memref<2048x128xf32, #tpu.memory_space<vmem_shared>> -> memref<2048x128xf32, #tpu.memory_space<vmem_shared>>
        tpu.enqueue_indirect_dma source(%dma_start3A_345 : memref<128x128xf32, #tpu.memory_space<vmem>>) target(%dma_start3A_348 : memref<2048x128xf32, #tpu.memory_space<vmem_shared>>) offsets(%arg7 : memref<128xi32, #tpu.memory_space<vmem>>) semaphore(%arg14 : memref<!tpu.dma_semaphore, #tpu.memory_space<semaphore_mem>>)
      } else {
      }
      %mul3A_305 = arith.constant 5 : i32
      %mul3A_306 = arith.muli %mul3A_305, %scan3A_165 : i32
      %add3A_307 = arith.constant 4 : i32
      %add3A_308 = arith.addi %mul3A_306, %add3A_307 : i32
      %eq3A_309 = arith.constant 4 : i32
      %eq3A_310 = arith.cmpi eq, %add3A_308, %eq3A_309 : i32
      %convert_element_type3A_311 = arith.extui %eq3A_310 : i1 to i32
      %cond3A_312 = arith.constant 0 : i32
      %cond3A_313 = arith.cmpi ne, %convert_element_type3A_311, %cond3A_312 : i32
      scf.if %cond3A_313 {
        %dma_wait3A_341 = arith.constant 8 : i32
        %dma_wait3A_342 = arith.constant 0 : i32
        %dma_wait3A_343 = tpu.memref_slice %arg5[%dma_wait3A_341, %dma_wait3A_342] : memref<200x128xi32, #tpu.memory_space<vmem>> -> memref<192x128xi32, #tpu.memory_space<vmem>>
        %dma_wait3A_344 = arith.constant 8 : i32
        %dma_wait3A_345 = tpu.memref_slice %arg2[%dma_wait3A_344, %mul3A_2] : memref<200x4096xi32, #tpu.memory_space<hbm>> -> memref<192x128xi32, #tpu.memory_space<hbm>>
        %dma_wait3A_346 = arith.constant 8 : i32
        %dma_wait3A_347 = arith.constant 0 : i32
        %dma_wait3A_348 = tpu.memref_slice %arg5[%dma_wait3A_346, %dma_wait3A_347] : memref<200x128xi32, #tpu.memory_space<vmem>> -> memref<192x128xi32, #tpu.memory_space<vmem>>
        %dma_wait3A_349 = arith.constant 8 : i32
        %dma_wait3A_350 = tpu.memref_slice %arg2[%dma_wait3A_349, %mul3A_2] : memref<200x4096xi32, #tpu.memory_space<hbm>> -> memref<192x128xi32, #tpu.memory_space<hbm>>
        tpu.wait_dma2 semaphore(%arg15 : memref<!tpu.dma_semaphore, #tpu.memory_space<semaphore_mem>>) src(%dma_wait3A_350 : memref<192x128xi32, #tpu.memory_space<hbm>>) dst(%dma_wait3A_348 : memref<192x128xi32, #tpu.memory_space<vmem>>)
      } else {
      }
      %ge3A_314 = arith.constant 1 : i32
      %ge3A_315 = arith.cmpi sge, %add3A_308, %ge3A_314 : i32
      %convert_element_type3A_316 = arith.extui %ge3A_315 : i1 to i32
      %cond3A_317 = arith.constant 0 : i32
      %cond3A_318 = arith.cmpi ne, %convert_element_type3A_316, %cond3A_317 : i32
      scf.if %cond3A_318 {
        %dma_wait3A_341 = arith.constant 0 : i32
        %dma_wait3A_342 = arith.constant 0 : i32
        %dma_wait3A_343 = arith.constant 0 : i32
        %dma_wait3A_344 = tpu.memref_slice %arg6[%dma_wait3A_341, %dma_wait3A_342, %dma_wait3A_343] : memref<5x128x128xf32, #tpu.memory_space<vmem>> -> memref<1x128x128xf32, #tpu.memory_space<vmem>>
        %dma_wait3A_345 = tpu.memref_squeeze %dma_wait3A_344 : memref<1x128x128xf32, #tpu.memory_space<vmem>> -> memref<128x128xf32, #tpu.memory_space<vmem>>
        %dma_wait3A_346 = arith.constant 0 : i32
        %dma_wait3A_347 = arith.constant 0 : i32
        %dma_wait3A_348 = tpu.memref_slice %arg8[%dma_wait3A_346, %dma_wait3A_347] : memref<2048x128xf32, #tpu.memory_space<vmem_shared>> -> memref<2048x128xf32, #tpu.memory_space<vmem_shared>>
        tpu.wait_indirect_dma semaphore(%arg14 : memref<!tpu.dma_semaphore, #tpu.memory_space<semaphore_mem>>) src(%dma_wait3A_345 : memref<128x128xf32, #tpu.memory_space<vmem>>) dst(%dma_wait3A_348 : memref<2048x128xf32, #tpu.memory_space<vmem_shared>>)
        %add3A_349 = arith.constant 5 : i32
        %add3A_350 = arith.addi %add3A_308, %add3A_349 : i32
        %sub3A = arith.constant 1 : i32
        %sub3A_351 = arith.subi %add3A_350, %sub3A : i32
        %lt3A_352 = arith.constant 200 : i32
        %lt3A_353 = arith.cmpi slt, %sub3A_351, %lt3A_352 : i32
        %convert_element_type3A_354 = arith.extui %lt3A_353 : i1 to i32
        %cond3A_355 = arith.constant 0 : i32
        %cond3A_356 = arith.cmpi ne, %convert_element_type3A_354, %cond3A_355 : i32
        scf.if %cond3A_356 {
          %add3A_357 = arith.constant 5 : i32
          %add3A_358 = arith.addi %add3A_308, %add3A_357 : i32
          %sub3A_359 = arith.constant 1 : i32
          %sub3A_360 = arith.subi %add3A_358, %sub3A_359 : i32
          %dma_start3A_361 = arith.constant 3 : i32
          %dma_start3A_362 = arith.constant 0 : i32
          %dma_start3A_363 = arith.constant 0 : i32
          %dma_start3A_364 = tpu.memref_slice %arg6[%dma_start3A_361, %dma_start3A_362, %dma_start3A_363] : memref<5x128x128xf32, #tpu.memory_space<vmem>> -> memref<1x128x128xf32, #tpu.memory_space<vmem>>
          %dma_start3A_365 = tpu.memref_squeeze %dma_start3A_364 : memref<1x128x128xf32, #tpu.memory_space<vmem>> -> memref<128x128xf32, #tpu.memory_space<vmem>>
          %dma_start3A_366 = arith.constant 0 : i32
          %dma_start3A_367 = tpu.memref_slice %arg5[%sub3A_360, %dma_start3A_366] : memref<200x128xi32, #tpu.memory_space<vmem>> -> memref<1x128xi32, #tpu.memory_space<vmem>>
          %dma_start3A_368 = tpu.memref_squeeze %dma_start3A_367 : memref<1x128xi32, #tpu.memory_space<vmem>> -> memref<128xi32, #tpu.memory_space<vmem>>
          %dma_start3A_369 = arith.constant 0 : i32
          %dma_start3A_370 = arith.constant 0 : i32
          %dma_start3A_371 = tpu.memref_slice %arg3[%dma_start3A_369, %dma_start3A_370] : memref<100000x128xf32, #tpu.memory_space<hbm>> -> memref<100000x128xf32, #tpu.memory_space<hbm>>
          tpu.enqueue_indirect_dma source(%dma_start3A_371 : memref<100000x128xf32, #tpu.memory_space<hbm>>) target(%dma_start3A_365 : memref<128x128xf32, #tpu.memory_space<vmem>>) offsets(%dma_start3A_368 : memref<128xi32, #tpu.memory_space<vmem>>) semaphore(%arg12 : memref<!tpu.dma_semaphore, #tpu.memory_space<semaphore_mem>>)
        } else {
        }
      } else {
      }
      %dma_wait3A_319 = arith.constant 0 : i32
      %dma_wait3A_320 = arith.constant 4 : i32
      %dma_wait3A_321 = arith.constant 0 : i32
      %dma_wait3A_322 = arith.constant 0 : i32
      %dma_wait3A_323 = tpu.memref_slice %arg6[%dma_wait3A_320, %dma_wait3A_321, %dma_wait3A_322] : memref<5x128x128xf32, #tpu.memory_space<vmem>> -> memref<1x128x128xf32, #tpu.memory_space<vmem>>
      %dma_wait3A_324 = tpu.memref_squeeze %dma_wait3A_323 : memref<1x128x128xf32, #tpu.memory_space<vmem>> -> memref<128x128xf32, #tpu.memory_space<vmem>>
      %dma_wait3A_325 = arith.constant 0 : i32
      %dma_wait3A_326 = tpu.memref_slice %arg5[%dma_wait3A_319, %dma_wait3A_325] : memref<200x128xi32, #tpu.memory_space<vmem>> -> memref<1x128xi32, #tpu.memory_space<vmem>>
      %dma_wait3A_327 = tpu.memref_squeeze %dma_wait3A_326 : memref<1x128xi32, #tpu.memory_space<vmem>> -> memref<128xi32, #tpu.memory_space<vmem>>
      %dma_wait3A_328 = arith.constant 0 : i32
      %dma_wait3A_329 = arith.constant 0 : i32
      %dma_wait3A_330 = tpu.memref_slice %arg3[%dma_wait3A_328, %dma_wait3A_329] : memref<100000x128xf32, #tpu.memory_space<hbm>> -> memref<100000x128xf32, #tpu.memory_space<hbm>>
      tpu.wait_indirect_dma semaphore(%arg13 : memref<!tpu.dma_semaphore, #tpu.memory_space<semaphore_mem>>) src(%dma_wait3A_330 : memref<100000x128xf32, #tpu.memory_space<hbm>>) dst(%dma_wait3A_324 : memref<128x128xf32, #tpu.memory_space<vmem>>)
      %ge3A_331 = arith.constant 1 : i32
      %ge3A_332 = arith.cmpi sge, %add3A_308, %ge3A_331 : i32
      %convert_element_type3A_333 = arith.extui %ge3A_332 : i1 to i32
      %cond3A_334 = arith.constant 0 : i32
      %cond3A_335 = arith.cmpi ne, %convert_element_type3A_333, %cond3A_334 : i32
      scf.if %cond3A_335 {
        %dma_start3A_341 = arith.constant 4 : i32
        %dma_start3A_342 = arith.constant 0 : i32
        %dma_start3A_343 = arith.constant 0 : i32
        %dma_start3A_344 = tpu.memref_slice %arg6[%dma_start3A_341, %dma_start3A_342, %dma_start3A_343] : memref<5x128x128xf32, #tpu.memory_space<vmem>> -> memref<1x128x128xf32, #tpu.memory_space<vmem>>
        %dma_start3A_345 = tpu.memref_squeeze %dma_start3A_344 : memref<1x128x128xf32, #tpu.memory_space<vmem>> -> memref<128x128xf32, #tpu.memory_space<vmem>>
        %dma_start3A_346 = arith.constant 0 : i32
        %dma_start3A_347 = arith.constant 0 : i32
        %dma_start3A_348 = tpu.memref_slice %arg8[%dma_start3A_346, %dma_start3A_347] : memref<2048x128xf32, #tpu.memory_space<vmem_shared>> -> memref<2048x128xf32, #tpu.memory_space<vmem_shared>>
        tpu.enqueue_indirect_dma source(%dma_start3A_345 : memref<128x128xf32, #tpu.memory_space<vmem>>) target(%dma_start3A_348 : memref<2048x128xf32, #tpu.memory_space<vmem_shared>>) offsets(%arg7 : memref<128xi32, #tpu.memory_space<vmem>>) semaphore(%arg14 : memref<!tpu.dma_semaphore, #tpu.memory_space<semaphore_mem>>) {add = true}
      } else {
      }
      %lt3A_336 = arith.constant 1 : i32
      %lt3A_337 = arith.cmpi slt, %add3A_308, %lt3A_336 : i32
      %convert_element_type3A_338 = arith.extui %lt3A_337 : i1 to i32
      %cond3A_339 = arith.constant 0 : i32
      %cond3A_340 = arith.cmpi ne, %convert_element_type3A_338, %cond3A_339 : i32
      scf.if %cond3A_340 {
        %dma_start3A_341 = arith.constant 4 : i32
        %dma_start3A_342 = arith.constant 0 : i32
        %dma_start3A_343 = arith.constant 0 : i32
        %dma_start3A_344 = tpu.memref_slice %arg6[%dma_start3A_341, %dma_start3A_342, %dma_start3A_343] : memref<5x128x128xf32, #tpu.memory_space<vmem>> -> memref<1x128x128xf32, #tpu.memory_space<vmem>>
        %dma_start3A_345 = tpu.memref_squeeze %dma_start3A_344 : memref<1x128x128xf32, #tpu.memory_space<vmem>> -> memref<128x128xf32, #tpu.memory_space<vmem>>
        %dma_start3A_346 = arith.constant 0 : i32
        %dma_start3A_347 = arith.constant 0 : i32
        %dma_start3A_348 = tpu.memref_slice %arg8[%dma_start3A_346, %dma_start3A_347] : memref<2048x128xf32, #tpu.memory_space<vmem_shared>> -> memref<2048x128xf32, #tpu.memory_space<vmem_shared>>
        tpu.enqueue_indirect_dma source(%dma_start3A_345 : memref<128x128xf32, #tpu.memory_space<vmem>>) target(%dma_start3A_348 : memref<2048x128xf32, #tpu.memory_space<vmem_shared>>) offsets(%arg7 : memref<128xi32, #tpu.memory_space<vmem>>) semaphore(%arg14 : memref<!tpu.dma_semaphore, #tpu.memory_space<semaphore_mem>>)
      } else {
      }
    }
    %scan3A_147 = arith.constant 40 : i32
    %dma_wait3A = arith.constant 0 : i32
    %dma_wait3A_148 = arith.constant 0 : i32
    %dma_wait3A_149 = arith.constant 0 : i32
    %dma_wait3A_150 = tpu.memref_slice %arg6[%dma_wait3A, %dma_wait3A_148, %dma_wait3A_149] : memref<5x128x128xf32, #tpu.memory_space<vmem>> -> memref<1x128x128xf32, #tpu.memory_space<vmem>>
    %dma_wait3A_151 = tpu.memref_squeeze %dma_wait3A_150 : memref<1x128x128xf32, #tpu.memory_space<vmem>> -> memref<128x128xf32, #tpu.memory_space<vmem>>
    %dma_wait3A_152 = arith.constant 0 : i32
    %dma_wait3A_153 = arith.constant 0 : i32
    %dma_wait3A_154 = tpu.memref_slice %arg8[%dma_wait3A_152, %dma_wait3A_153] : memref<2048x128xf32, #tpu.memory_space<vmem_shared>> -> memref<2048x128xf32, #tpu.memory_space<vmem_shared>>
    tpu.wait_indirect_dma semaphore(%arg14 : memref<!tpu.dma_semaphore, #tpu.memory_space<semaphore_mem>>) src(%dma_wait3A_151 : memref<128x128xf32, #tpu.memory_space<vmem>>) dst(%dma_wait3A_154 : memref<2048x128xf32, #tpu.memory_space<vmem_shared>>)
    %run_scoped3A = arith.constant 0 : i32
    "tpu.region"() ({
      %run_scoped3A_165 = tpu.sem_alloc : memref<!tpu.dma_semaphore, #tpu.memory_space<semaphore_mem>>
      %dma_start3A_166 = arith.constant 0 : i32
      %dma_start3A_167 = arith.constant 0 : i32
      %dma_start3A_168 = tpu.memref_slice %arg6[%run_scoped3A, %dma_start3A_166, %dma_start3A_167] : memref<5x128x128xf32, #tpu.memory_space<vmem>> -> memref<1x128x128xf32, #tpu.memory_space<vmem>>
      %dma_start3A_169 = tpu.memref_squeeze %dma_start3A_168 : memref<1x128x128xf32, #tpu.memory_space<vmem>> -> memref<128x128xf32, #tpu.memory_space<vmem>>
      %dma_start3A_170 = arith.constant 0 : i32
      %dma_start3A_171 = tpu.memref_slice %arg8[%mul3A_4, %dma_start3A_170] : memref<2048x128xf32, #tpu.memory_space<vmem_shared>> -> memref<128x128xf32, #tpu.memory_space<vmem_shared>>
      %dma_start3A_172 = arith.constant 0 : i32
      %dma_start3A_173 = arith.constant 0 : i32
      %dma_start3A_174 = tpu.memref_slice %arg6[%run_scoped3A, %dma_start3A_172, %dma_start3A_173] : memref<5x128x128xf32, #tpu.memory_space<vmem>> -> memref<1x128x128xf32, #tpu.memory_space<vmem>>
      %dma_start3A_175 = tpu.memref_squeeze %dma_start3A_174 : memref<1x128x128xf32, #tpu.memory_space<vmem>> -> memref<128x128xf32, #tpu.memory_space<vmem>>
      %dma_start3A_176 = arith.constant 0 : i32
      %dma_start3A_177 = tpu.memref_slice %arg8[%mul3A_4, %dma_start3A_176] : memref<2048x128xf32, #tpu.memory_space<vmem_shared>> -> memref<128x128xf32, #tpu.memory_space<vmem_shared>>
      tpu.enqueue_dma source(%dma_start3A_177 : memref<128x128xf32, #tpu.memory_space<vmem_shared>>) target(%dma_start3A_175 : memref<128x128xf32, #tpu.memory_space<vmem>>) target_semaphore(%run_scoped3A_165 : memref<!tpu.dma_semaphore, #tpu.memory_space<semaphore_mem>>)
      %dma_wait3A_178 = arith.constant 0 : i32
      %dma_wait3A_179 = arith.constant 0 : i32
      %dma_wait3A_180 = tpu.memref_slice %arg6[%run_scoped3A, %dma_wait3A_178, %dma_wait3A_179] : memref<5x128x128xf32, #tpu.memory_space<vmem>> -> memref<1x128x128xf32, #tpu.memory_space<vmem>>
      %dma_wait3A_181 = tpu.memref_squeeze %dma_wait3A_180 : memref<1x128x128xf32, #tpu.memory_space<vmem>> -> memref<128x128xf32, #tpu.memory_space<vmem>>
      %dma_wait3A_182 = arith.constant 0 : i32
      %dma_wait3A_183 = tpu.memref_slice %arg8[%mul3A_4, %dma_wait3A_182] : memref<2048x128xf32, #tpu.memory_space<vmem_shared>> -> memref<128x128xf32, #tpu.memory_space<vmem_shared>>
      %dma_wait3A_184 = arith.constant 0 : i32
      %dma_wait3A_185 = arith.constant 0 : i32
      %dma_wait3A_186 = tpu.memref_slice %arg6[%run_scoped3A, %dma_wait3A_184, %dma_wait3A_185] : memref<5x128x128xf32, #tpu.memory_space<vmem>> -> memref<1x128x128xf32, #tpu.memory_space<vmem>>
      %dma_wait3A_187 = tpu.memref_squeeze %dma_wait3A_186 : memref<1x128x128xf32, #tpu.memory_space<vmem>> -> memref<128x128xf32, #tpu.memory_space<vmem>>
      %dma_wait3A_188 = arith.constant 0 : i32
      %dma_wait3A_189 = tpu.memref_slice %arg8[%mul3A_4, %dma_wait3A_188] : memref<2048x128xf32, #tpu.memory_space<vmem_shared>> -> memref<128x128xf32, #tpu.memory_space<vmem_shared>>
      tpu.wait_dma2 semaphore(%run_scoped3A_165 : memref<!tpu.dma_semaphore, #tpu.memory_space<semaphore_mem>>) src(%dma_wait3A_189 : memref<128x128xf32, #tpu.memory_space<vmem_shared>>) dst(%dma_wait3A_187 : memref<128x128xf32, #tpu.memory_space<vmem>>)
      tpu.yield
    }) : () -> ()
    %broadcast_in_dim3A_155 = arith.constant 5.000000e-03 : f32
    %broadcast_in_dim3A_156 = vector.broadcast %broadcast_in_dim3A_155 : f32 to vector<16xf32>
    %scan3A_157 = arith.constant 0 : i32
    %scan3A_158 = arith.constant 0 : i32
    %scan3A_159 = arith.constant 0 : i32
    %scan3A_160 = arith.constant 128 : i32
    %scan3A_161 = arith.addi %scan3A_159, %scan3A_160 : i32
    %scan3A_162 = arith.constant 1 : i32
    scf.for %scan3A_165 = %scan3A_159 to %scan3A_161 step %scan3A_162  : i32 {
      %get3A = arith.constant 0 : i32
      %get3A_166 = arith.constant 0 : i32
      %get3A_167 = tpu.memref_slice %arg6[%scan3A_158, %get3A, %get3A_166] : memref<5x128x128xf32, #tpu.memory_space<vmem>> -> memref<1x128x128xf32, #tpu.memory_space<vmem>>
      %get3A_168 = tpu.memref_squeeze %get3A_167 : memref<1x128x128xf32, #tpu.memory_space<vmem>> -> memref<128x128xf32, #tpu.memory_space<vmem>>
      %get3A_169 = arith.index_cast %scan3A_165 : i32 to index
      %get3A_170 = arith.constant 0 : index
      %get3A_171 = tpu.vector_load %get3A_168[%get3A_169, %get3A_170] {strides = array<i32>} : memref<128x128xf32, #tpu.memory_space<vmem>>, vector<1x16xf32>,
      %get3A_172 = vector.shape_cast %get3A_171 : vector<1x16xf32> to vector<16xf32>
      %mul3A_173 = arith.mulf %get3A_172, %broadcast_in_dim3A_156 : vector<16xf32>
      %swap3A_174 = arith.constant 0 : i32
      %swap3A_175 = arith.constant 0 : i32
      %swap3A_176 = tpu.memref_slice %arg6[%scan3A_158, %swap3A_174, %swap3A_175] : memref<5x128x128xf32, #tpu.memory_space<vmem>> -> memref<1x128x128xf32, #tpu.memory_space<vmem>>
      %swap3A_177 = tpu.memref_squeeze %swap3A_176 : memref<1x128x128xf32, #tpu.memory_space<vmem>> -> memref<128x128xf32, #tpu.memory_space<vmem>>
      %swap3A_178 = arith.index_cast %scan3A_165 : i32 to index
      %swap3A_179 = arith.constant 0 : index
      %swap3A_180 = tpu.vector_load %swap3A_177[%swap3A_178, %swap3A_179] {strides = array<i32>} : memref<128x128xf32, #tpu.memory_space<vmem>>, vector<1x16xf32>,
      %swap3A_181 = vector.shape_cast %swap3A_180 : vector<1x16xf32> to vector<16xf32>
      %swap3A_182 = vector.shape_cast %mul3A_173 : vector<16xf32> to vector<1x16xf32>
      tpu.vector_store %swap3A_177[%swap3A_178, %swap3A_179], %swap3A_182 {strides = array<i32>} : memref<128x128xf32, #tpu.memory_space<vmem>>, vector<1x16xf32>,
      %get3A_183 = arith.constant 0 : i32
      %get3A_184 = arith.constant 0 : i32
      %get3A_185 = tpu.memref_slice %arg6[%scan3A_158, %get3A_183, %get3A_184] : memref<5x128x128xf32, #tpu.memory_space<vmem>> -> memref<1x128x128xf32, #tpu.memory_space<vmem>>
      %get3A_186 = tpu.memref_squeeze %get3A_185 : memref<1x128x128xf32, #tpu.memory_space<vmem>> -> memref<128x128xf32, #tpu.memory_space<vmem>>
      %get3A_187 = arith.index_cast %scan3A_165 : i32 to index
      %get3A_188 = arith.constant 16 : index
      %get3A_189 = tpu.vector_load %get3A_186[%get3A_187, %get3A_188] {strides = array<i32>} : memref<128x128xf32, #tpu.memory_space<vmem>>, vector<1x16xf32>,
      %get3A_190 = vector.shape_cast %get3A_189 : vector<1x16xf32> to vector<16xf32>
      %mul3A_191 = arith.mulf %get3A_190, %broadcast_in_dim3A_156 : vector<16xf32>
      %swap3A_192 = arith.constant 0 : i32
      %swap3A_193 = arith.constant 0 : i32
      %swap3A_194 = tpu.memref_slice %arg6[%scan3A_158, %swap3A_192, %swap3A_193] : memref<5x128x128xf32, #tpu.memory_space<vmem>> -> memref<1x128x128xf32, #tpu.memory_space<vmem>>
      %swap3A_195 = tpu.memref_squeeze %swap3A_194 : memref<1x128x128xf32, #tpu.memory_space<vmem>> -> memref<128x128xf32, #tpu.memory_space<vmem>>
      %swap3A_196 = arith.index_cast %scan3A_165 : i32 to index
      %swap3A_197 = arith.constant 16 : index
      %swap3A_198 = tpu.vector_load %swap3A_195[%swap3A_196, %swap3A_197] {strides = array<i32>} : memref<128x128xf32, #tpu.memory_space<vmem>>, vector<1x16xf32>,
      %swap3A_199 = vector.shape_cast %swap3A_198 : vector<1x16xf32> to vector<16xf32>
      %swap3A_200 = vector.shape_cast %mul3A_191 : vector<16xf32> to vector<1x16xf32>
      tpu.vector_store %swap3A_195[%swap3A_196, %swap3A_197], %swap3A_200 {strides = array<i32>} : memref<128x128xf32, #tpu.memory_space<vmem>>, vector<1x16xf32>,
      %get3A_201 = arith.constant 0 : i32
      %get3A_202 = arith.constant 0 : i32
      %get3A_203 = tpu.memref_slice %arg6[%scan3A_158, %get3A_201, %get3A_202] : memref<5x128x128xf32, #tpu.memory_space<vmem>> -> memref<1x128x128xf32, #tpu.memory_space<vmem>>
      %get3A_204 = tpu.memref_squeeze %get3A_203 : memref<1x128x128xf32, #tpu.memory_space<vmem>> -> memref<128x128xf32, #tpu.memory_space<vmem>>
      %get3A_205 = arith.index_cast %scan3A_165 : i32 to index
      %get3A_206 = arith.constant 32 : index
      %get3A_207 = tpu.vector_load %get3A_204[%get3A_205, %get3A_206] {strides = array<i32>} : memref<128x128xf32, #tpu.memory_space<vmem>>, vector<1x16xf32>,
      %get3A_208 = vector.shape_cast %get3A_207 : vector<1x16xf32> to vector<16xf32>
      %mul3A_209 = arith.mulf %get3A_208, %broadcast_in_dim3A_156 : vector<16xf32>
      %swap3A_210 = arith.constant 0 : i32
      %swap3A_211 = arith.constant 0 : i32
      %swap3A_212 = tpu.memref_slice %arg6[%scan3A_158, %swap3A_210, %swap3A_211] : memref<5x128x128xf32, #tpu.memory_space<vmem>> -> memref<1x128x128xf32, #tpu.memory_space<vmem>>
      %swap3A_213 = tpu.memref_squeeze %swap3A_212 : memref<1x128x128xf32, #tpu.memory_space<vmem>> -> memref<128x128xf32, #tpu.memory_space<vmem>>
      %swap3A_214 = arith.index_cast %scan3A_165 : i32 to index
      %swap3A_215 = arith.constant 32 : index
      %swap3A_216 = tpu.vector_load %swap3A_213[%swap3A_214, %swap3A_215] {strides = array<i32>} : memref<128x128xf32, #tpu.memory_space<vmem>>, vector<1x16xf32>,
      %swap3A_217 = vector.shape_cast %swap3A_216 : vector<1x16xf32> to vector<16xf32>
      %swap3A_218 = vector.shape_cast %mul3A_209 : vector<16xf32> to vector<1x16xf32>
      tpu.vector_store %swap3A_213[%swap3A_214, %swap3A_215], %swap3A_218 {strides = array<i32>} : memref<128x128xf32, #tpu.memory_space<vmem>>, vector<1x16xf32>,
      %get3A_219 = arith.constant 0 : i32
      %get3A_220 = arith.constant 0 : i32
      %get3A_221 = tpu.memref_slice %arg6[%scan3A_158, %get3A_219, %get3A_220] : memref<5x128x128xf32, #tpu.memory_space<vmem>> -> memref<1x128x128xf32, #tpu.memory_space<vmem>>
      %get3A_222 = tpu.memref_squeeze %get3A_221 : memref<1x128x128xf32, #tpu.memory_space<vmem>> -> memref<128x128xf32, #tpu.memory_space<vmem>>
      %get3A_223 = arith.index_cast %scan3A_165 : i32 to index
      %get3A_224 = arith.constant 48 : index
      %get3A_225 = tpu.vector_load %get3A_222[%get3A_223, %get3A_224] {strides = array<i32>} : memref<128x128xf32, #tpu.memory_space<vmem>>, vector<1x16xf32>,
      %get3A_226 = vector.shape_cast %get3A_225 : vector<1x16xf32> to vector<16xf32>
      %mul3A_227 = arith.mulf %get3A_226, %broadcast_in_dim3A_156 : vector<16xf32>
      %swap3A_228 = arith.constant 0 : i32
      %swap3A_229 = arith.constant 0 : i32
      %swap3A_230 = tpu.memref_slice %arg6[%scan3A_158, %swap3A_228, %swap3A_229] : memref<5x128x128xf32, #tpu.memory_space<vmem>> -> memref<1x128x128xf32, #tpu.memory_space<vmem>>
      %swap3A_231 = tpu.memref_squeeze %swap3A_230 : memref<1x128x128xf32, #tpu.memory_space<vmem>> -> memref<128x128xf32, #tpu.memory_space<vmem>>
      %swap3A_232 = arith.index_cast %scan3A_165 : i32 to index
      %swap3A_233 = arith.constant 48 : index
      %swap3A_234 = tpu.vector_load %swap3A_231[%swap3A_232, %swap3A_233] {strides = array<i32>} : memref<128x128xf32, #tpu.memory_space<vmem>>, vector<1x16xf32>,
      %swap3A_235 = vector.shape_cast %swap3A_234 : vector<1x16xf32> to vector<16xf32>
      %swap3A_236 = vector.shape_cast %mul3A_227 : vector<16xf32> to vector<1x16xf32>
      tpu.vector_store %swap3A_231[%swap3A_232, %swap3A_233], %swap3A_236 {strides = array<i32>} : memref<128x128xf32, #tpu.memory_space<vmem>>, vector<1x16xf32>,
      %get3A_237 = arith.constant 0 : i32
      %get3A_238 = arith.constant 0 : i32
      %get3A_239 = tpu.memref_slice %arg6[%scan3A_158, %get3A_237, %get3A_238] : memref<5x128x128xf32, #tpu.memory_space<vmem>> -> memref<1x128x128xf32, #tpu.memory_space<vmem>>
      %get3A_240 = tpu.memref_squeeze %get3A_239 : memref<1x128x128xf32, #tpu.memory_space<vmem>> -> memref<128x128xf32, #tpu.memory_space<vmem>>
      %get3A_241 = arith.index_cast %scan3A_165 : i32 to index
      %get3A_242 = arith.constant 64 : index
      %get3A_243 = tpu.vector_load %get3A_240[%get3A_241, %get3A_242] {strides = array<i32>} : memref<128x128xf32, #tpu.memory_space<vmem>>, vector<1x16xf32>,
      %get3A_244 = vector.shape_cast %get3A_243 : vector<1x16xf32> to vector<16xf32>
      %mul3A_245 = arith.mulf %get3A_244, %broadcast_in_dim3A_156 : vector<16xf32>
      %swap3A_246 = arith.constant 0 : i32
      %swap3A_247 = arith.constant 0 : i32
      %swap3A_248 = tpu.memref_slice %arg6[%scan3A_158, %swap3A_246, %swap3A_247] : memref<5x128x128xf32, #tpu.memory_space<vmem>> -> memref<1x128x128xf32, #tpu.memory_space<vmem>>
      %swap3A_249 = tpu.memref_squeeze %swap3A_248 : memref<1x128x128xf32, #tpu.memory_space<vmem>> -> memref<128x128xf32, #tpu.memory_space<vmem>>
      %swap3A_250 = arith.index_cast %scan3A_165 : i32 to index
      %swap3A_251 = arith.constant 64 : index
      %swap3A_252 = tpu.vector_load %swap3A_249[%swap3A_250, %swap3A_251] {strides = array<i32>} : memref<128x128xf32, #tpu.memory_space<vmem>>, vector<1x16xf32>,
      %swap3A_253 = vector.shape_cast %swap3A_252 : vector<1x16xf32> to vector<16xf32>
      %swap3A_254 = vector.shape_cast %mul3A_245 : vector<16xf32> to vector<1x16xf32>
      tpu.vector_store %swap3A_249[%swap3A_250, %swap3A_251], %swap3A_254 {strides = array<i32>} : memref<128x128xf32, #tpu.memory_space<vmem>>, vector<1x16xf32>,
      %get3A_255 = arith.constant 0 : i32
      %get3A_256 = arith.constant 0 : i32
      %get3A_257 = tpu.memref_slice %arg6[%scan3A_158, %get3A_255, %get3A_256] : memref<5x128x128xf32, #tpu.memory_space<vmem>> -> memref<1x128x128xf32, #tpu.memory_space<vmem>>
      %get3A_258 = tpu.memref_squeeze %get3A_257 : memref<1x128x128xf32, #tpu.memory_space<vmem>> -> memref<128x128xf32, #tpu.memory_space<vmem>>
      %get3A_259 = arith.index_cast %scan3A_165 : i32 to index
      %get3A_260 = arith.constant 80 : index
      %get3A_261 = tpu.vector_load %get3A_258[%get3A_259, %get3A_260] {strides = array<i32>} : memref<128x128xf32, #tpu.memory_space<vmem>>, vector<1x16xf32>,
      %get3A_262 = vector.shape_cast %get3A_261 : vector<1x16xf32> to vector<16xf32>
      %mul3A_263 = arith.mulf %get3A_262, %broadcast_in_dim3A_156 : vector<16xf32>
      %swap3A_264 = arith.constant 0 : i32
      %swap3A_265 = arith.constant 0 : i32
      %swap3A_266 = tpu.memref_slice %arg6[%scan3A_158, %swap3A_264, %swap3A_265] : memref<5x128x128xf32, #tpu.memory_space<vmem>> -> memref<1x128x128xf32, #tpu.memory_space<vmem>>
      %swap3A_267 = tpu.memref_squeeze %swap3A_266 : memref<1x128x128xf32, #tpu.memory_space<vmem>> -> memref<128x128xf32, #tpu.memory_space<vmem>>
      %swap3A_268 = arith.index_cast %scan3A_165 : i32 to index
      %swap3A_269 = arith.constant 80 : index
      %swap3A_270 = tpu.vector_load %swap3A_267[%swap3A_268, %swap3A_269] {strides = array<i32>} : memref<128x128xf32, #tpu.memory_space<vmem>>, vector<1x16xf32>,
      %swap3A_271 = vector.shape_cast %swap3A_270 : vector<1x16xf32> to vector<16xf32>
      %swap3A_272 = vector.shape_cast %mul3A_263 : vector<16xf32> to vector<1x16xf32>
      tpu.vector_store %swap3A_267[%swap3A_268, %swap3A_269], %swap3A_272 {strides = array<i32>} : memref<128x128xf32, #tpu.memory_space<vmem>>, vector<1x16xf32>,
      %get3A_273 = arith.constant 0 : i32
      %get3A_274 = arith.constant 0 : i32
      %get3A_275 = tpu.memref_slice %arg6[%scan3A_158, %get3A_273, %get3A_274] : memref<5x128x128xf32, #tpu.memory_space<vmem>> -> memref<1x128x128xf32, #tpu.memory_space<vmem>>
      %get3A_276 = tpu.memref_squeeze %get3A_275 : memref<1x128x128xf32, #tpu.memory_space<vmem>> -> memref<128x128xf32, #tpu.memory_space<vmem>>
      %get3A_277 = arith.index_cast %scan3A_165 : i32 to index
      %get3A_278 = arith.constant 96 : index
      %get3A_279 = tpu.vector_load %get3A_276[%get3A_277, %get3A_278] {strides = array<i32>} : memref<128x128xf32, #tpu.memory_space<vmem>>, vector<1x16xf32>,
      %get3A_280 = vector.shape_cast %get3A_279 : vector<1x16xf32> to vector<16xf32>
      %mul3A_281 = arith.mulf %get3A_280, %broadcast_in_dim3A_156 : vector<16xf32>
      %swap3A_282 = arith.constant 0 : i32
      %swap3A_283 = arith.constant 0 : i32
      %swap3A_284 = tpu.memref_slice %arg6[%scan3A_158, %swap3A_282, %swap3A_283] : memref<5x128x128xf32, #tpu.memory_space<vmem>> -> memref<1x128x128xf32, #tpu.memory_space<vmem>>
      %swap3A_285 = tpu.memref_squeeze %swap3A_284 : memref<1x128x128xf32, #tpu.memory_space<vmem>> -> memref<128x128xf32, #tpu.memory_space<vmem>>
      %swap3A_286 = arith.index_cast %scan3A_165 : i32 to index
      %swap3A_287 = arith.constant 96 : index
      %swap3A_288 = tpu.vector_load %swap3A_285[%swap3A_286, %swap3A_287] {strides = array<i32>} : memref<128x128xf32, #tpu.memory_space<vmem>>, vector<1x16xf32>,
      %swap3A_289 = vector.shape_cast %swap3A_288 : vector<1x16xf32> to vector<16xf32>
      %swap3A_290 = vector.shape_cast %mul3A_281 : vector<16xf32> to vector<1x16xf32>
      tpu.vector_store %swap3A_285[%swap3A_286, %swap3A_287], %swap3A_290 {strides = array<i32>} : memref<128x128xf32, #tpu.memory_space<vmem>>, vector<1x16xf32>,
      %get3A_291 = arith.constant 0 : i32
      %get3A_292 = arith.constant 0 : i32
      %get3A_293 = tpu.memref_slice %arg6[%scan3A_158, %get3A_291, %get3A_292] : memref<5x128x128xf32, #tpu.memory_space<vmem>> -> memref<1x128x128xf32, #tpu.memory_space<vmem>>
      %get3A_294 = tpu.memref_squeeze %get3A_293 : memref<1x128x128xf32, #tpu.memory_space<vmem>> -> memref<128x128xf32, #tpu.memory_space<vmem>>
      %get3A_295 = arith.index_cast %scan3A_165 : i32 to index
      %get3A_296 = arith.constant 112 : index
      %get3A_297 = tpu.vector_load %get3A_294[%get3A_295, %get3A_296] {strides = array<i32>} : memref<128x128xf32, #tpu.memory_space<vmem>>, vector<1x16xf32>,
      %get3A_298 = vector.shape_cast %get3A_297 : vector<1x16xf32> to vector<16xf32>
      %mul3A_299 = arith.mulf %get3A_298, %broadcast_in_dim3A_156 : vector<16xf32>
      %swap3A_300 = arith.constant 0 : i32
      %swap3A_301 = arith.constant 0 : i32
      %swap3A_302 = tpu.memref_slice %arg6[%scan3A_158, %swap3A_300, %swap3A_301] : memref<5x128x128xf32, #tpu.memory_space<vmem>> -> memref<1x128x128xf32, #tpu.memory_space<vmem>>
      %swap3A_303 = tpu.memref_squeeze %swap3A_302 : memref<1x128x128xf32, #tpu.memory_space<vmem>> -> memref<128x128xf32, #tpu.memory_space<vmem>>
      %swap3A_304 = arith.index_cast %scan3A_165 : i32 to index
      %swap3A_305 = arith.constant 112 : index
      %swap3A_306 = tpu.vector_load %swap3A_303[%swap3A_304, %swap3A_305] {strides = array<i32>} : memref<128x128xf32, #tpu.memory_space<vmem>>, vector<1x16xf32>,
      %swap3A_307 = vector.shape_cast %swap3A_306 : vector<1x16xf32> to vector<16xf32>
      %swap3A_308 = vector.shape_cast %mul3A_299 : vector<16xf32> to vector<1x16xf32>
      tpu.vector_store %swap3A_303[%swap3A_304, %swap3A_305], %swap3A_308 {strides = array<i32>} : memref<128x128xf32, #tpu.memory_space<vmem>>, vector<1x16xf32>,
    }
    %scan3A_163 = arith.constant 128 : i32
    %run_scoped3A_164 = arith.constant 0 : i32
    "tpu.region"() ({
      %run_scoped3A_165 = tpu.sem_alloc : memref<!tpu.dma_semaphore, #tpu.memory_space<semaphore_mem>>
      %dma_start3A_166 = arith.constant 0 : i32
      %dma_start3A_167 = arith.constant 0 : i32
      %dma_start3A_168 = tpu.memref_slice %arg6[%run_scoped3A_164, %dma_start3A_166, %dma_start3A_167] : memref<5x128x128xf32, #tpu.memory_space<vmem>> -> memref<1x128x128xf32, #tpu.memory_space<vmem>>
      %dma_start3A_169 = tpu.memref_squeeze %dma_start3A_168 : memref<1x128x128xf32, #tpu.memory_space<vmem>> -> memref<128x128xf32, #tpu.memory_space<vmem>>
      %dma_start3A_170 = arith.constant 0 : i32
      %dma_start3A_171 = tpu.memref_slice %arg4[%mul3A_2, %dma_start3A_170] : memref<4096x128xf32, #tpu.memory_space<hbm>> -> memref<128x128xf32, #tpu.memory_space<hbm>>
      %dma_start3A_172 = arith.constant 0 : i32
      %dma_start3A_173 = tpu.memref_slice %arg4[%mul3A_2, %dma_start3A_172] : memref<4096x128xf32, #tpu.memory_space<hbm>> -> memref<128x128xf32, #tpu.memory_space<hbm>>
      %dma_start3A_174 = arith.constant 0 : i32
      %dma_start3A_175 = arith.constant 0 : i32
      %dma_start3A_176 = tpu.memref_slice %arg6[%run_scoped3A_164, %dma_start3A_174, %dma_start3A_175] : memref<5x128x128xf32, #tpu.memory_space<vmem>> -> memref<1x128x128xf32, #tpu.memory_space<vmem>>
      %dma_start3A_177 = tpu.memref_squeeze %dma_start3A_176 : memref<1x128x128xf32, #tpu.memory_space<vmem>> -> memref<128x128xf32, #tpu.memory_space<vmem>>
      tpu.enqueue_dma source(%dma_start3A_177 : memref<128x128xf32, #tpu.memory_space<vmem>>) target(%dma_start3A_173 : memref<128x128xf32, #tpu.memory_space<hbm>>) target_semaphore(%run_scoped3A_165 : memref<!tpu.dma_semaphore, #tpu.memory_space<semaphore_mem>>)
      %dma_wait3A_178 = arith.constant 0 : i32
      %dma_wait3A_179 = arith.constant 0 : i32
      %dma_wait3A_180 = tpu.memref_slice %arg6[%run_scoped3A_164, %dma_wait3A_178, %dma_wait3A_179] : memref<5x128x128xf32, #tpu.memory_space<vmem>> -> memref<1x128x128xf32, #tpu.memory_space<vmem>>
      %dma_wait3A_181 = tpu.memref_squeeze %dma_wait3A_180 : memref<1x128x128xf32, #tpu.memory_space<vmem>> -> memref<128x128xf32, #tpu.memory_space<vmem>>
      %dma_wait3A_182 = arith.constant 0 : i32
      %dma_wait3A_183 = tpu.memref_slice %arg4[%mul3A_2, %dma_wait3A_182] : memref<4096x128xf32, #tpu.memory_space<hbm>> -> memref<128x128xf32, #tpu.memory_space<hbm>>
      %dma_wait3A_184 = arith.constant 0 : i32
      %dma_wait3A_185 = tpu.memref_slice %arg4[%mul3A_2, %dma_wait3A_184] : memref<4096x128xf32, #tpu.memory_space<hbm>> -> memref<128x128xf32, #tpu.memory_space<hbm>>
      %dma_wait3A_186 = arith.constant 0 : i32
      %dma_wait3A_187 = arith.constant 0 : i32
      %dma_wait3A_188 = tpu.memref_slice %arg6[%run_scoped3A_164, %dma_wait3A_186, %dma_wait3A_187] : memref<5x128x128xf32, #tpu.memory_space<vmem>> -> memref<1x128x128xf32, #tpu.memory_space<vmem>>
      %dma_wait3A_189 = tpu.memref_squeeze %dma_wait3A_188 : memref<1x128x128xf32, #tpu.memory_space<vmem>> -> memref<128x128xf32, #tpu.memory_space<vmem>>
      tpu.wait_dma2 semaphore(%run_scoped3A_165 : memref<!tpu.dma_semaphore, #tpu.memory_space<semaphore_mem>>) src(%dma_wait3A_189 : memref<128x128xf32, #tpu.memory_space<vmem>>) dst(%dma_wait3A_185 : memref<128x128xf32, #tpu.memory_space<hbm>>)
      tpu.yield
    }) : () -> ()
    return
  }
}

</mosaic_0001>

<sc_bundles>
// kernel: kernel.3.cloned.1.call-start
scs
__scs_entry_jumppad:
0x0: {  	(pc) =	sbr.rel $0x88, $3  }
0x1: {  	(tag) =	ssettag $0x0;
	lr =	simm.s32 $0x1  }
0x2: {  	[smem:$0x3F9F] =	sst lr;
	_ =	strace $0xD0000000  }
0x3: {  	_ = 	snop  }
0x4: {  	_ = 	snop  }
0x5: {  	_ = 	snop  }
0x6: {  	_ = 	snop  }
0x7: {  	_ = 	snop  }
__scs_overlays_trampoline_lowered:
0x8: {  	[smem:$0x3FAE] =	sst s0  }
0x9: {  	[smem:$0x3FAF] =	sst s1  }
0xa: {  	[smem:$0x3FB0] =	sst s2  }
0xb: {  	[smem:$0x3FB1] =	sst s3  }
0xc: {  	[smem:$0x3FB2] =	sst s4  }
0xd: {  	[smem:$0x3FB3] =	sst s5  }
0xe: {  	[smem:$0x3FB4] =	sst s6  }
0xf: {  	[smem:$0x3FB5] =	sst s7  }
0x10: {  	[smem:$0x3FB6] =	sst s8  }
0x11: {  	[smem:$0x3FB7] =	sst s9;
	s0 =	simm.s32 @!p0 $0x0  }
0x12: {  	s1 =	sld [smem:$0x3F9D];
	s0 =	simm.s32 @p0 $0x1  }
0x13: {  	[smem:$0x3FB8] =	sst s0;
	s0 =	simm.s32 @!p1 $0x0  }
0x14: {  	s2 =	sld [smem:$0x3F9C];
	s0 =	simm.s32 @p1 $0x1  }
0x15: {  	[smem:$0x3FB9] =	sst s0;
	s0 =	simm.s32 @!p2 $0x0  }
0x16: {  	s3 =	sld [smem:$0x3FDB];
	s0 =	simm.s32 @p2 $0x1  }
0x17: {  	s4 =	simm.s32 $0x1BF5;
	[smem:$0x3FBB] =	sst s0  }
0x18: {  	s0 =	sld [smem:$0x3F9E];
	_ =	swait.ge [sflag:s4], $0x0  }
0x19: {  	s7 =	sld [smem:$0x3F9F]  }
0x1a: {  	s8 =	sadd.s32 $0xFFFFE003, lr  }
0x1b: {  	s9 =	sadd.s32 $0xFFFFFEF7, lr;
	s5 =	simm.s32 $0xFFFFFFFF;
	p2 =	slt.u32 s8, $0xFFFFF086  }
0x1c: {  	p1 =	slt.u32 s9, $0xF7A;
	s5 =	simm.s32 @!p2 $0x0  }
0x1d: {  	s5 =	simm.s32 @p1 $0x1;
	p0 =	seq.s32 s7, s2  }
0x1e: {  	s7 =	smul.u32 @!p0 $0xF7A, s2;
	p2 =	seq.s32 @!p0 s5, $0x0  }
0x1f: {  	s9 =	smul.u32 $0xF7A, s1;
	s8 =	simm.s32 @!p0 $0x1BF5;
	p2 =	por !p2, p0  }
0x20: {  	[sflag:s8] =	ssyncset.s32 @!p0 $0xFFFFF086;
	s6 =	sadd.s32 @!p0 s3, s7;
	s7 =	simm.s32 @!p0 $0x108  }
0x21: {  	s3 =	sadd.s32 s3, s9;
	s6 =	sadd.s32 @!p0 $0x88, s6;
	s7 =	simm.s32 @p2 $0x1082  }
0x22: {  	[simem:s7], [sflag:s8] =	dma.local @!p0 [hbm:s6], $0xF7A  }
0x23: {  	s9 =	sor.u32 $0xD0000000, s2;
	s6 =	simm.s32 $0x108;
	_ =	swait.ge @!p0 [sflag:s8], $0x0  }
0x24: {  	s3 =	sadd.s32 $0x88, s3;
	s6 =	simm.s32 @!p1 $0x1082;
	[sflag:s4] =	ssyncset.s32 $0xFFFFF086  }
0x25: {  	[simem:s6], [sflag:s4] =	dma.local [hbm:s3], $0xF7A  }
0x26: {  	[smem:$0x3F9F] =	sst s1;
	(tag) =	ssettag s2;
	_ =	strace s9  }
0x27: {  	s1 =	sld [smem:$0x3FAF]  }
0x28: {  	s2 =	sld [smem:$0x3FB0]  }
0x29: {  	s4 =	sld [smem:$0x3FB2]  }
0x2a: {  	p0 =	seq.s32 s5, $0x0;
	s5 =	sld [smem:$0x3FB3]  }
0x2b: {  	s6 =	sld [smem:$0x3FB4]  }
0x2c: {  	s7 =	sld [smem:$0x3FB5]  }
0x2d: {  	s3 =	simm.s32 $0x108;
	s8 =	sld [smem:$0x3FB6]  }
0x2e: {  	s3 =	simm.s32 @!p0 $0x1082;
	s9 =	sld [smem:$0x3FB7]  }
0x2f: {  	lr =	sadd.s32 s0, s3;
	s0 =	sld [smem:$0x3FAE]  }
0x30: {  	s3 =	sld [smem:$0x3FB1]  }
0x31: {  	[smem:$0x3FBA] =	sst s10  }
0x32: {  	s10 =	sld [smem:$0x3FB8];
	_ =	sdelay $0x3  }
0x33: {  	p0 =	seq.s32 s10, $0x1;
	s10 =	sld [smem:$0x3FBA];
	_ =	sdelay $0x3  }
0x34: {  	[smem:$0x3FBA] =	sst s10  }
0x35: {  	s10 =	sld [smem:$0x3FB9];
	_ =	sdelay $0x3  }
0x36: {  	p1 =	seq.s32 s10, $0x1;
	s10 =	sld [smem:$0x3FBA];
	_ =	sdelay $0x3  }
0x37: {  	[smem:$0x3FBA] =	sst s10  }
0x38: {  	s10 =	sld [smem:$0x3FBB]  }
0x39: {  	_ = 	snop;
	(pc) =	sbr.ind lr, $3  }
0x3a: {  	_ = 	snop  }
0x3b: {  	_ = 	snop  }
0x3c: {  	p2 =	seq.s32 s10, $0x1;
	s10 =	sld [smem:$0x3FBA]  }
0x3d: {  	_ =	shalt  }
0x3e: {  	_ =	shalt  }
0x3f: {  	_ =	shalt  }
0x40: {  	_ =	shalt  }
0x41: {  	_ =	shalt  }
0x42: {  	_ =	shalt  }
0x43: {  	_ =	shalt  }
0x44: {  	_ =	shalt  }
0x45: {  	_ =	shalt  }
0x46: {  	_ =	shalt  }
0x47: {  	_ =	shalt  }
0x48: {  	_ =	shalt  }
0x49: {  	_ =	shalt  }
0x4a: {  	_ =	shalt  }
0x4b: {  	_ =	shalt  }
0x4c: {  	_ =	shalt  }
0x4d: {  	_ =	shalt  }
0x4e: {  	_ =	shalt  }
0x4f: {  	_ =	shalt  }
0x50: {  	_ =	shalt  }
0x51: {  	_ =	shalt  }
0x52: {  	_ =	shalt  }
0x53: {  	_ =	shalt  }
0x54: {  	_ =	shalt  }
0x55: {  	_ =	shalt  }
0x56: {  	_ =	shalt  }
0x57: {  	_ =	shalt  }
0x58: {  	_ =	shalt  }
0x59: {  	_ =	shalt  }
0x5a: {  	_ =	shalt  }
0x5b: {  	_ =	shalt  }
0x5c: {  	_ =	shalt  }
0x5d: {  	_ =	shalt  }
0x5e: {  	_ =	shalt  }
0x5f: {  	_ =	shalt  }
0x60: {  	_ =	shalt  }
0x61: {  	_ =	shalt  }
0x62: {  	_ =	shalt  }
0x63: {  	_ =	shalt  }
0x64: {  	_ =	shalt  }
0x65: {  	_ =	shalt  }
0x66: {  	_ =	shalt  }
0x67: {  	_ =	shalt  }
0x68: {  	_ =	shalt  }
0x69: {  	_ =	shalt  }
0x6a: {  	_ =	shalt  }
0x6b: {  	_ =	shalt  }
0x6c: {  	_ =	shalt  }
0x6d: {  	_ =	shalt  }
0x6e: {  	_ =	shalt  }
0x6f: {  	_ =	shalt  }
0x70: {  	_ =	shalt  }
0x71: {  	_ =	shalt  }
0x72: {  	_ =	shalt  }
0x73: {  	_ =	shalt  }
0x74: {  	_ =	shalt  }
0x75: {  	_ =	shalt  }
0x76: {  	_ =	shalt  }
0x77: {  	_ =	shalt  }
0x78: {  	_ =	shalt  }
0x79: {  	_ =	shalt  }
0x7a: {  	_ =	shalt  }
0x7b: {  	_ =	shalt  }
0x7c: {  	_ =	shalt  }
0x7d: {  	_ =	shalt  }
0x7e: {  	_ =	shalt  }
0x7f: {  	_ =	shalt  }
0x80: {  	_ =	shalt  }
0x81: {  	_ =	shalt  }
0x82: {  	_ =	shalt  }
0x83: {  	_ =	shalt  }
0x84: {  	_ =	shalt  }
0x85: {  	_ =	shalt  }
0x86: {  	_ =	shalt  }
0x87: {  	_ =	shalt  }
.Lfunc_end0:
.L_simem_size_0:
called_computation_lowered:
.L_overlay_start_0:
0x88: {  	s2 =	sld [smem:$0x3FD9]  }
0x89: {  	s3 =	sld [smem:$0x3FFE];
	_ =	sdelay $0x1  }
0x8a: {  	s1 =	srdreg.scid  }
0x8b: {  	s0 =	sand.u32 $0x1, s1  }
0x8c: {  	s18 =	sshll.u32 s0, $0xA;
	s2 =	sadd.s32 s3, s2  }
0x8d: {  	s2 =	sadd.s32 s2, s18  }
0x8e: {  	[smem:$0x3FC6] =	sst s2  }
0x8f: {  	_ = 	snop  }
0x90: {  	s2 =	sld [smem:$0x3FC9]  }
0x91: {  	s19 =	sld [smem:$0x3FC8]  }
0x92: {  	s4 =	sld [smem:$0x3FD0];
	(tm) =	ssettm $0x1  }
0x93: {  	s5 =	sld [smem:$0x3FFB];
	_ =	sdelay $0x3  }
0x94: {  	_ =	strace s5  }
0x95: {  	s5 =	sld [smem:$0x3FFC];
	_ =	sdelay $0x3  }
0x96: {  	_ =	strace s5  }
0x97: {  	s5 =	sld [smem:$0x3FFD];
	_ =	sdelay $0x3  }
0x98: {  	_ =	strace s5  }
0x99: {  	_ =	strace $0x8FFFFFFF  }
0x9a: {  	s20 =	sld [smem:$0x3FDB];
	_ =	sdelay $0x1  }
0x9b: {  	s6 =	simm.s32 $_scs_section_size  }
0x9c: {  	s7 =	simm.s32 $_size__tile_overlayer_lowered;
	s8 =	simm.s32 $_tile_overlayer_lowered  }
0x9d: {  	s23 =	simm.s32 $0x1BFF;
	s22 =	sshll.u32 s8, $0x1;
	s5 =	sadd.s32 s6, s20  }
0x9e: {  	s9 =	simm.s32 $0x0;
	s21 =	sshll.u32 s7, $0x1;
	s7 =	sadd.s32 s22, s5  }
0x9f: {  	[timem:s9], [sflag:s23] =	dma.local [hbm:s7], s21  }
0xa0: {  	_ =	swait.ge [sflag:s23], s21  }
0xa1: {  	s6 =	ssub.s32 $0x0, s21;
	[sflag:s23] =	ssyncset.done $0x0  }
0xa2: {  	[sflag:s23] =	ssyncadd.s32 s6;
	_ =	sdelay $0x1  }
0xa3: {  	s24 =	simm.s32 $0x1B8B  }
0xa4: {  	_ =	swait.ge [sflag:s24], $0x1  }
0xa5: {  	[sflag:s24] =	ssyncset.done $0x0  }
0xa6: {  	s25 =	simm.s32 $0x1B8E;
	[sflag:s24] =	ssyncadd.s32 $0xFFFFFFFF  }
0xa7: {  	s26 =	simm.s32 $execute0_lowered;
	[smem:$0x3FD2] =	sst s25  }
0xa8: {  	s6 =	sshll.u32 s26, $0x1;
	_ =	strace $0x80000046;
	[dreg:$0x1] =	wrdreg $0xFFFFFFFF  }
0xa9: {  	s28 =	simm.s32 $_size_execute0_lowered;
	s5 =	sadd.s32 s5, s6;
	[dreg:$0x0] =	wrdreg $0x0  }
0xaa: {  	s6 =	sshll.u32 s28, $0x1;
	[dreg:$0x2] =	wrdreg s5  }
0xab: {  	[dreg:$0x3] =	wrdreg s6  }
0xac: {  	[dreg:$0x4] =	wrdreg $0xC0  }
0xad: {  	_ =	task [dreg:s9], $0x5FFFF  }
0xae: {  	[dreg:$0x1] =	wrdreg $0xFFFFFFFF  }
0xaf: {  	[dreg:$0x0] =	wrdreg $0x60  }
0xb0: {  	[dreg:$0x2] =	wrdreg s2  }
0xb1: {  	[dreg:$0x3] =	wrdreg s19  }
0xb2: {  	[dreg:$0x4] =	wrdreg s4  }
0xb3: {  	[dreg:$0x5] =	wrdreg $0x1A4800  }
0xb4: {  	[dreg:$0x6] =	wrdreg $0x9  }
0xb5: {  	_ =	task.clear_ibuf [dreg:s9], $0x7FFFF;
	_ =	strace $0x90000046  }
0xb6: {  	s29 =	simm.s32 $0x9;
	_ =	strace $0x80000048  }
0xb7: {  	_ =	swait.ge [sflag:s29], $0x1  }
0xb8: {  	[sflag:s29] =	ssyncadd.s32 $0xFFFFFFFF  }
0xb9: {  	_ =	strace $0x90000048  }
0xba: {  	_ =	sfence  }
0xbb: {  	s30 =	sld [smem:$0x0];
	_ =	sdelay $0x2  }
0xbc: {  	s31 =	sshll.u32 s1, $0xD;
	s1 =	sshrl.u32 s1, $0x2  }
0xbd: {  	s3 =	sand.u32 $0x4000, s31;
	s1 =	sadd.s32 s1, s30  }
0xbe: {  	s0 =	sor.u32 s3, s0;
	s1 =	sshll.u32 s1, $0x11  }
0xbf: {  	s0 =	sor.u32 s1, s0  }
0xc0: {  	s0 =	sadd.s32 $0x8F2B, s0  }
0xc1: {  	[sflag:s0] =	ssyncadd.remote.s32 $0x1  }
0xc2: {  	_ =	sfence.sel $0xFFFF  }
0xc3: {  	[dreg:$0x0] =	wrdreg $0xFFFFFFFF;
	(pc) =	sbr.abs _section_cstart, $3  }
0xc4: {  	[dreg:$0x1] =	wrdreg $0xFFFFFFFF  }
0xc5: {  	_ =	task.clear_ibuf [dreg:s9], $0x2FFFF;
	_ =	strace $0x9FFFFFFF  }
0xc6: {  	(tm) =	ssettm $0x7FFFFFFF  }
0xc7: {  	_ =	shalt  }
tec
execute0_lowered:
.L_overlay_start_1:
0x0: {  	(tag) =	ssettag $0x1  }
0x1: {  	s5 =	rddreg [dreg:$0x0]  }
0x2: {  	s1 =	rddreg [dreg:$0x1]  }
0x3: {  	s8 =	rddreg [dreg:$0x2]  }
0x4: {  	s3 =	rddreg [dreg:$0x3]  }
0x5: {  	s4 =	srdreg.scid;
	s0 =	stileid.u32  }
0x6: {  	s11 =	simm.s32 $0x400;
	s12 =	simm.s32 $0x8;
	s13 =	simm.s32 $0x80  }
0x7: {  	s14 =	simm.s32 $0x6400;
	s15 =	simm.s32 $0xA400;
	s16 =	simm.s32 $0x100  }
0x8: {  	s17 =	simm.s32 $0xE400;
	s18 =	simm.s32 $0x180;
	s19 =	simm.s32 $0x12400  }
0x9: {  	s22 =	simm.s32 $0x6;
	s6 =	sand.u32 $0x1, s4;
	s4 =	simm.s32 $0x0  }
0xa: {  	s20 =	sshll.u32 s0, $0x7;
	s31 =	sshll.u32 s0, $0xE;
	s7 =	sshll.u32 s6, $0xB  }
0xb: {  	[smem:$0x7FF] =	sst s4;
	s6 =	ssub.s32 $0x2, s6;
	s21 =	sor.u32 $0x10, s20  }
0xc: {  	s23 =	sor.u32 $0x20, s20;
	s24 =	sor.u32 $0x30, s20;
	s25 =	sor.u32 $0x40, s20  }
0xd: {  	s26 =	sor.u32 $0x50, s20;
	s28 =	sor.u32 $0x60, s20;
	s29 =	sor.u32 $0x70, s20  }
0xe: {  	v7 =	vlaneseq.u32;
	s9 =	sor.u32 s20, s7;
	_ =	strace $0x80000047;
	s30 =	sshrl.u32 s6, $0x1  }
0xf: {  	v0 =	vor.u32 s20, v7;
	s7 =	sadd.s32 s31, s3;
	v1 =	vor.u32 s21, v7;
	s20 =	simm.s32 $0x200;
	s21 =	simm.s32 $0x16400  }
0x10: {  	v2 =	vor.u32 s23, v7;
	v3 =	vor.u32 s24, v7;
	v4 =	vor.u32 s25, v7;
	s23 =	simm.s32 $0x3;
	s24 =	simm.s32 $0x1A400;
	s25 =	simm.s32 $0x4  }
0x11: {  	v5 =	vor.u32 s26, v7;
	v6 =	vor.u32 s28, v7;
	v7 =	vor.u32 s29, v7;
	s26 =	simm.s32 $0x7;
	s28 =	simm.s32 $0x5;
	s29 =	simm.s32 $0x0  }
0x12: {  	s5 =	sadd.s32 s5, s9;
	s10 =	ssub.s32 s6, s30;
	s9 =	sshll.u32 s9, $0x4  }
0x13: {  	s6 =	sadd.s32 $0x1000, s5;
	s8 =	sadd.s32 s8, s9;
	s9 =	smax.u32 s10, $0x1  }
.LBB2_1:
0x14: {  	s0 =	simm.s32 $0x8000  }
0x15: {  	[tilespmem:s11], [sflag:$0x7] =	stream.strided.gather [hbm4b:s6+s11], $0x6000, s0, s11, $0x38;
	[tilespmem:$0x1E480] =	vst v63  }
0x16: {  	_ = 	snop  }
0x17: {  	[tilespmem:s4], [sflag:$0x8] =	stream.linear.gather [hbm4b:s5+s4], $0x400, $0x38;
	[tilespmem:$0x1E480] =	vst v63  }
0x18: {  	_ =	swait.ge [sflag:s12], $0x400  }
0x19: {  	[sflag:s12] =	ssyncset.done $0x0  }
0x1a: {  	[sflag:s12] =	ssyncadd.s32 $0xFFFFFC00  }
0x1b: {  	[tilespmem:$0x1A400] =	vst v0  }
0x1c: {  	[tilespmem:$0x1A410] =	vst v1  }
0x1d: {  	[tilespmem:$0x1A420] =	vst v2  }
0x1e: {  	[tilespmem:$0x1A430] =	vst v3  }
0x1f: {  	[tilespmem:$0x1A440] =	vst v4  }
0x20: {  	[tilespmem:$0x1A450] =	vst v5  }
0x21: {  	[tilespmem:$0x1A460] =	vst v6  }
0x22: {  	[tilespmem:$0x1A470] =	vst v7  }
0x23: {  	[tilespmem:s14], [sflag:$0x1] =	stream.indirect.gather [hbm4b:s1+s13], $0x80, s4, s13, $0xb8;
	[tilespmem:$0x1E480] =	vst v63  }
0x24: {  	_ = 	snop  }
0x25: {  	[tilespmem:s15], [sflag:$0x2] =	stream.indirect.gather [hbm4b:s1+s13], $0x80, s13, s13, $0xb8;
	[tilespmem:$0x1E480] =	vst v63  }
0x26: {  	_ = 	snop  }
0x27: {  	[tilespmem:s17], [sflag:$0x3] =	stream.indirect.gather [hbm4b:s1+s13], $0x80, s16, s13, $0xb8;
	[tilespmem:$0x1E480] =	vst v63  }
.Ltmp0:
0x28: {  	_ = 	snop;
	(pc) =	sbr.rel .LBB2_2-.Ltmp0, $4  }
0x29: {  	_ = 	snop  }
0x2a: {  	[tilespmem:s19], [sflag:$0x4] =	stream.indirect.gather [hbm4b:s1+s13], $0x80, s18, s13, $0xb8;
	[tilespmem:$0x1E480] =	vst v63  }
0x2b: {  	s30 =	simm.s32 $0x0  }
0x2c: {  	[tilespmem:s21], [sflag:$0x5] =	stream.indirect.gather [hbm4b:s1+s13], $0x80, s20, s13, $0xb8;
	[tilespmem:$0x1E480] =	vst v63  }
.LBB2_3:
0x2d: {  	_ =	swait.ge [sflag:s26], $0x6000  }
0x2e: {  	[sflag:s26] =	ssyncset.done $0x0  }
0x2f: {  	[sflag:s26] =	ssyncadd.s32 $0xFFFFA000  }
0x30: {  	_ =	swait.ge [sflag:s22], $0x4000  }
0x31: {  	[sflag:s22] =	ssyncset.done $0x0  }
0x32: {  	[sflag:s22] =	ssyncadd.s32 $0xFFFFC000  }
.LBB2_5:
0x33: {  	s0 =	sshra.s32 s30, $0x2  }
0x34: {  	s0 =	sadd.s32 $0x400, s0  }
0x35: {  	[tilespmem:s19], [sflag:$0x4] =	stream.indirect.gather [hbm4b:s1+s13], $0x80, s0, s13, $0xb8;
	[tilespmem:$0x1E480] =	vst v63  }
.LBB2_6:
0x36: {  	s30 =	sadd.s32 $0xA00, s30  }
0x37: {  	p0 =	sne.s32 s30, $0x19000  }
.Ltmp1:
0x38: {  	_ = 	snop;
	(pc) =	sbr.rel @!p0 .LBB2_7-.Ltmp1, $4  }
0x39: {  	_ =	swait.ge [sflag:s28], $0x4000  }
0x3a: {  	[sflag:s28] =	ssyncset.done $0x0  }
0x3b: {  	[sflag:s28] =	ssyncadd.s32 $0xFFFFC000  }
0x3c: {  	[spmem:s3] =	stream.indirect.scatter.add.f32 [tilespmem:s21], [sflag:$0x6], $0x80, s24, s13, $0xb8;
	[tilespmem:$0x1E480] =	vst v63  }
.LBB2_2:
0x3d: {  	p0 =	seq.s32 s30, $0x0  }
0x3e: {  	s31 =	simm.s32 @p0 $0x1  }
0x3f: {  	_ =	swait.ge @p0 [sflag:s31], $0x4000  }
0x40: {  	s0 =	simm.s32 @p0 $0x1A400;
	[sflag:s31] =	ssyncset.done @p0 $0x0  }
0x41: {  	s2 =	simm.s32 @p0 $0x6400;
	[sflag:s31] =	ssyncadd.s32 @p0 $0xFFFFC000;
	s31 =	simm.s32 @p0 $0x80  }
0x42: {  	[spmem:s3] =	stream.indirect.scatter @p0 [tilespmem:s2], [sflag:$0x6], $0x80, s0, s31, $0xb8;
	[tilespmem:$0x1E480] =	vst v63  }
0x43: {  	s0 =	simm.s32 @!p0 $0x6  }
0x44: {  	_ =	swait.ge @!p0 [sflag:s0], $0x4000  }
0x45: {  	[sflag:s0] =	ssyncset.done @!p0 $0x0  }
0x46: {  	[sflag:s0] =	ssyncadd.s32 @!p0 $0xFFFFC000;
	s0 =	sshra.s32 @!p0 s30, $0x2  }
0x47: {  	s2 =	simm.s32 @!p0 $0x80;
	s31 =	simm.s32 @!p0 $0x16400;
	s0 =	sadd.s32 @!p0 $0x200, s0  }
0x48: {  	[tilespmem:s31], [sflag:$0x5] =	stream.indirect.gather @!p0 [hbm4b:s1+s2], $0x80, s0, s2, $0xb8;
	[tilespmem:$0x1E480] =	vst v63  }
0x49: {  	s0 =	simm.s32 @!p0 $0x1  }
0x4a: {  	_ =	swait.ge @!p0 [sflag:s0], $0x4000  }
0x4b: {  	[sflag:s0] =	ssyncset.done @!p0 $0x0  }
0x4c: {  	s31 =	simm.s32 @!p0 $0x6400;
	[sflag:s0] =	ssyncadd.s32 @!p0 $0xFFFFC000;
	s0 =	simm.s32 @!p0 $0x1A400  }
0x4d: {  	[spmem:s3] =	stream.indirect.scatter.add.f32 @!p0 [tilespmem:s31], [sflag:$0x6], $0x80, s0, s2, $0xb8;
	[tilespmem:$0x1E480] =	vst v63  }
0x4e: {  	_ =	swait.ge [sflag:s22], $0x4000  }
0x4f: {  	p0 =	seq.s32 s30, $0x18600;
	[sflag:s22] =	ssyncset.done $0x0  }
0x50: {  	s0 =	simm.s32 @p0 $0x2;
	[sflag:s22] =	ssyncadd.s32 $0xFFFFC000  }
0x51: {  	_ =	swait.ge @p0 [sflag:s0], $0x4000  }
0x52: {  	s2 =	simm.s32 @p0 $0x1A400;
	[sflag:s0] =	ssyncset.done @p0 $0x0  }
0x53: {  	s31 =	simm.s32 @p0 $0xA400;
	[sflag:s0] =	ssyncadd.s32 @p0 $0xFFFFC000;
	s0 =	simm.s32 @p0 $0x80  }
0x54: {  	[spmem:s3] =	stream.indirect.scatter.add.f32 @p0 [tilespmem:s31], [sflag:$0x6], $0x80, s2, s0, $0xb8;
	[tilespmem:$0x1E480] =	vst v63  }
0x55: {  	s0 =	simm.s32 @p0 $0x6  }
0x56: {  	_ =	swait.ge @p0 [sflag:s0], $0x4000  }
0x57: {  	[sflag:s0] =	ssyncset.done @p0 $0x0  }
0x58: {  	[sflag:s0] =	ssyncadd.s32 @p0 $0xFFFFC000;
	s0 =	sshra.s32 @!p0 s30, $0x2  }
0x59: {  	s10 =	simm.s32 @!p0 $0x6400;
	s31 =	simm.s32 @!p0 $0x80;
	s2 =	sadd.s32 @!p0 $0x280, s0  }
0x5a: {  	[tilespmem:s10], [sflag:$0x1] =	stream.indirect.gather @!p0 [hbm4b:s1+s31], $0x80, s2, s31, $0xb8;
	[tilespmem:$0x1E480] =	vst v63  }
0x5b: {  	s2 =	simm.s32 @!p0 $0x2  }
0x5c: {  	_ =	swait.ge @!p0 [sflag:s2], $0x4000  }
0x5d: {  	[sflag:s2] =	ssyncset.done @!p0 $0x0  }
0x5e: {  	s10 =	simm.s32 @!p0 $0xA400;
	[sflag:s2] =	ssyncadd.s32 @!p0 $0xFFFFC000;
	s2 =	simm.s32 @!p0 $0x1A400  }
0x5f: {  	[spmem:s3] =	stream.indirect.scatter.add.f32 @!p0 [tilespmem:s10], [sflag:$0x6], $0x80, s2, s31, $0xb8;
	[tilespmem:$0x1E480] =	vst v63  }
0x60: {  	s2 =	simm.s32 @!p0 $0x6  }
0x61: {  	_ =	swait.ge @!p0 [sflag:s2], $0x4000  }
0x62: {  	[sflag:s2] =	ssyncset.done @!p0 $0x0  }
0x63: {  	[sflag:s2] =	ssyncadd.s32 @!p0 $0xFFFFC000;
	s2 =	sadd.s32 @!p0 $0x300, s0  }
0x64: {  	[tilespmem:s10], [sflag:$0x2] =	stream.indirect.gather @!p0 [hbm4b:s1+s31], $0x80, s2, s31, $0xb8;
	[tilespmem:$0x1E480] =	vst v63  }
0x65: {  	_ =	swait.ge [sflag:s23], $0x4000  }
0x66: {  	[sflag:s23] =	ssyncset.done $0x0  }
0x67: {  	[sflag:s23] =	ssyncadd.s32 $0xFFFFC000  }
0x68: {  	[spmem:s3] =	stream.indirect.scatter.add.f32 [tilespmem:s17], [sflag:$0x6], $0x80, s24, s13, $0xb8;
	[tilespmem:$0x1E480] =	vst v63  }
0x69: {  	_ =	swait.ge [sflag:s22], $0x4000  }
0x6a: {  	p1 =	sne.s32 s30, $0x0;
	[sflag:s22] =	ssyncset.done $0x0  }
0x6b: {  	s0 =	sadd.s32 @!p0 $0x380, s0;
	s2 =	simm.s32 @!p0 $0xE400;
	[sflag:s22] =	ssyncadd.s32 $0xFFFFC000  }
0x6c: {  	[tilespmem:s2], [sflag:$0x3] =	stream.indirect.gather @!p0 [hbm4b:s1+s31], $0x80, s0, s31, $0xb8;
	[tilespmem:$0x1E480] =	vst v63  }
.Ltmp2:
0x6d: {  	_ = 	snop;
	(pc) =	sbr.rel @!p1 .LBB2_3-.Ltmp2, $4  }
0x6e: {  	_ =	swait.ge [sflag:s25], $0x4000  }
0x6f: {  	[sflag:s25] =	ssyncset.done $0x0  }
0x70: {  	[sflag:s25] =	ssyncadd.s32 $0xFFFFC000  }
0x71: {  	[spmem:s3] =	stream.indirect.scatter.add.f32 [tilespmem:s19], [sflag:$0x6], $0x80, s24, s13, $0xb8;
	[tilespmem:$0x1E480] =	vst v63  }
.Ltmp3:
0x72: {  	(pc) =	sbr.rel @p0 .LBB2_6-.Ltmp3, $4  }
.Ltmp4:
0x73: {  	(pc) =	sbr.rel @!p0 .LBB2_5-.Ltmp4, $4  }
0x74: {  	_ =	swait.ge [sflag:s22], $0x4000  }
0x75: {  	[sflag:s22] =	ssyncset.done $0x0  }
0x76: {  	[sflag:s22] =	ssyncadd.s32 $0xFFFFC000  }
0x77: {  	_ = 	snop  }
.LBB2_7:
0x78: {  	_ =	swait.ge [sflag:s22], $0x4000  }
0x79: {  	[sflag:s22] =	ssyncset.done $0x0  }
0x7a: {  	[sflag:s22] =	ssyncadd.s32 $0xFFFFC000  }
0x7b: {  	[tilespmem:s14], [sflag:$0x8] =	stream.linear.gather [spmem:s7], $0x4000, $0x38;
	[tilespmem:$0x1E480] =	vst v63  }
0x7c: {  	_ =	swait.ge [sflag:s12], $0x4000  }
0x7d: {  	[sflag:s12] =	ssyncset.done $0x0  }
0x7e: {  	s30 =	simm.s32 $0x0;
	[sflag:s12] =	ssyncadd.s32 $0xFFFFC000  }
0x7f: {  	v11 =	vld [tilespmem:s30+$0x6400]  }
0x80: {  	v13 =	vld [tilespmem:s30+$0x6410]  }
0x81: {  	v12 =	vld [tilespmem:s30+$0x6420]  }
0x82: {  	v10 =	vld [tilespmem:s30+$0x6430]  }
0x83: {  	v8 =	vld [tilespmem:s30+$0x6440]  }
0x84: {  	v9 =	vld [tilespmem:s30+$0x6450];
	v14 =	vmul.f32 $4.999999890e-03, v11  }
0x85: {  	s31 =	simm.s32 $0x200;
	v13 =	vmul.f32 $4.999999890e-03, v13;
	v11 =	vld [tilespmem:s30+$0x6460]  }
.LBB2_8:
0x86: {  	s0 =	sshra.s32 s31, $0x2;
	p0 =	sne.s32 s31, $0xFE00;
	[tilespmem:s30+$0x6400] =	vst v14;
	v12 =	vmul.f32 $4.999999890e-03, v12;
	v14 =	vld [tilespmem:s30+$0x6470]  }
0x87: {  	v15 =	vld [tilespmem:s0+$0x6400];
	[tilespmem:s30+$0x6410] =	vst v13;
	v10 =	vmul.f32 $4.999999890e-03, v10  }
0x88: {  	v13 =	vld [tilespmem:s0+$0x6410];
	[tilespmem:s30+$0x6420] =	vst v12;
	v8 =	vmul.f32 $4.999999890e-03, v8  }
.Ltmp5:
0x89: {  	v12 =	vld [tilespmem:s0+$0x6420];
	[tilespmem:s30+$0x6430] =	vst v10;
	v9 =	vmul.f32 $4.999999890e-03, v9;
	(pc) =	sbr.rel @p0 .LBB2_8-.Ltmp5, $4  }
0x8a: {  	v10 =	vld [tilespmem:s0+$0x6430];
	[tilespmem:s30+$0x6440] =	vst v8;
	v11 =	vmul.f32 $4.999999890e-03, v11  }
0x8b: {  	v8 =	vld [tilespmem:s0+$0x6440];
	[tilespmem:s30+$0x6450] =	vst v9;
	v16 =	vmul.f32 $4.999999890e-03, v14  }
0x8c: {  	v14 =	vmul.f32 $4.999999890e-03, v15;
	v9 =	vld [tilespmem:s0+$0x6450];
	[tilespmem:s30+$0x6460] =	vst v11  }
0x8d: {  	s31 =	sadd.s32 $0x200, s31;
	v13 =	vmul.f32 $4.999999890e-03, v13;
	v11 =	vld [tilespmem:s0+$0x6460];
	[tilespmem:s30+$0x6470] =	vst v16;
	s30 =	smov.u32 s0  }
0x8e: {  	[tilespmem:s30+$0x6400] =	vst v14;
	v12 =	vmul.f32 $4.999999890e-03, v12;
	v62 =	vld [tilespmem:s30+$0x6470]  }
0x8f: {  	[tilespmem:s30+$0x6410] =	vst v13;
	v10 =	vmul.f32 $4.999999890e-03, v10  }
0x90: {  	[tilespmem:s30+$0x6420] =	vst v12;
	v8 =	vmul.f32 $4.999999890e-03, v8  }
0x91: {  	[tilespmem:s30+$0x6430] =	vst v10;
	v9 =	vmul.f32 $4.999999890e-03, v9  }
0x92: {  	[tilespmem:s30+$0x6440] =	vst v8;
	v8 =	vmul.f32 $4.999999890e-03, v11  }
0x93: {  	s29 =	sadd.s32 $0x1, s29;
	[tilespmem:s30+$0x6450] =	vst v9;
	v63 =	vmul.f32 $4.999999890e-03, v62  }
0x94: {  	p0 =	sne.s32 s29, s9;
	[tilespmem:s30+$0x6460] =	vst v8  }
.Ltmp6:
0x95: {  	[tilespmem:s30+$0x6470] =	vst v63;
	(pc) =	sbr.rel @p0 .LBB2_1-.Ltmp6, $4  }
0x96: {  	[hbm4b:s8+s4] =	stream.linear.scatter [tilespmem:s14], [sflag:$0x8], $0x4000, $0x38;
	[tilespmem:$0x1E480] =	vst v63  }
0x97: {  	_ =	swait.ge [sflag:s12], $0x4000  }
0x98: {  	[sflag:s12] =	ssyncset.done $0x0  }
0x99: {  	[sflag:s12] =	ssyncadd.s32 $0xFFFFC000  }
0x9a: {  	_ =	sfence.sel $0x180000  }
0x9b: {  	[bflag:$0x0] =	sbarrier.arrive $0xFFFF  }
0x9c: {  	_ =	strace $0x90000047  }
0x9d: {  	s0 =	stileid.u32;
	[bflag:$0x2] =	sbarrier.arrive $0xFFFF  }
0x9e: {  	p0 =	sne.s32 s0, $0x0;
	s0 =	rddreg [dreg:$0x4]  }
0x9f: {  	s0 =	sadd.s32 @!p0 $0x100000, s0  }
0xa0: {  	[sflag:s0] =	ssyncadd.tile.s32 @!p0 $0x1;
	_ =	shalt  }
.Lfunc_end2:
_tile_overlayer_lowered:
.L_overlay_start_2:
0xa1: {  	(tag) =	ssettag $0x2  }
0xa2: {  	s0 =	rddreg [dreg:$0x0];
	s2 =	stileid.u32  }
0xa3: {  	s1 =	rddreg [dreg:$0x1];
	p0 =	sne.s32 s2, $0x0  }
0xa4: {  	s3 =	rddreg [dreg:$0x2];
	[bflag:$0x3] =	sbarrier.arrive $0xFFFF;
	s2 =	simm.s32 @!p0 $0x1C08  }
0xa5: {  	[timem:s3], [sflag:s2] =	dma.local @!p0 [hbm:s0], s1  }
0xa6: {  	s0 =	simm.s32 @!p0 $0x8  }
0xa7: {  	_ =	swait.ge @!p0 [sflag:s0], s1  }
0xa8: {  	s1 =	ssub.s32 @!p0 $0x0, s1;
	[sflag:s0] =	ssyncset.done @!p0 $0x0  }
0xa9: {  	[sflag:s0] =	ssyncadd.s32 @!p0 s1  }
0xaa: {  	[bflag:$0x3] =	sbarrier.arrive $0xFFFF  }
0xab: {  	_ =	shalt  }

</sc_bundles>
